<compile_context>
chip_gen: v7x
topology: tpu7x:2x2x1
jax: 0.10.2.dev20260603
libtpu: 0.0.44.dev20260713+nightly
codegen_flags: <defaults>
</compile_context>

<pallas_src>
import functools

import jax
import jax.numpy as jnp
from jax import lax
from jax.experimental import pallas as pl
from jax.experimental.pallas import tpu as pltpu
from jax.experimental.pallas import tpu_sc as plsc

_CHUNK = 32
_NBUF = 5


@functools.lru_cache(maxsize=None)
def _make_gather(R, C, D, chunk, nbuf):
    B = R * C
    info = plsc.get_sparse_core_info()
    NC, NS = info.num_cores, info.num_subcores
    NW = NC * NS
    assert B % NW == 0
    b_per_w = B // NW
    assert C % b_per_w == 0
    assert b_per_w % chunk == 0
    n_chunks = b_per_w // chunk
    lookahead = 4
    mesh = plsc.VectorSubcoreMesh(core_axis_name="c", subcore_axis_name="s")

    @functools.partial(
        pl.kernel,
        mesh=mesh,
        out_type=jax.ShapeDtypeStruct((B, D), jnp.float32),
        scratch_types=[
            pltpu.VMEM((b_per_w,), jnp.int32),
            pltpu.VMEM((nbuf, chunk, D), jnp.float32),
        ]
        + [pltpu.SemaphoreType.DMA] * (2 * nbuf),
    )
    def k(table_hbm, tok_hbm, out_hbm, idx_v, buf, *sems):
        gsem = sems[:nbuf]
        psem = sems[nbuf:]
        wid = lax.axis_index("s") * NC + lax.axis_index("c")
        base = wid * b_per_w
        per_row = C // b_per_w
        trow = wid // per_row
        tcol = (wid % per_row) * b_per_w
        half = b_per_w // 2
        pltpu.sync_copy(
            tok_hbm.at[trow, pl.ds(tcol, half)], idx_v.at[pl.ds(0, half)]
        )

        gathers = [None] * n_chunks
        puts = [None] * n_chunks

        def start_gather(c):
            gathers[c] = pltpu.async_copy(
                table_hbm.at[idx_v.at[pl.ds(c * chunk, chunk)]],
                buf.at[c % nbuf],
                gsem[c % nbuf],
            )

        lead = min(lookahead, n_chunks, half // chunk)
        for c in range(lead):
            start_gather(c)
        pltpu.sync_copy(
            tok_hbm.at[trow, pl.ds(tcol + half, b_per_w - half)],
            idx_v.at[pl.ds(half, b_per_w - half)],
        )
        for c in range(lead, min(lookahead, n_chunks)):
            start_gather(c)
        for c in range(n_chunks):
            nxt = c + lookahead
            if nxt < n_chunks:
                if nxt >= nbuf:
                    puts[nxt - nbuf].wait()
                start_gather(nxt)
            gathers[c].wait()
            puts[c] = pltpu.async_copy(
                buf.at[c % nbuf],
                out_hbm.at[pl.ds(base + c * chunk, chunk)],
                psem[c % nbuf],
            )
        for c in range(max(0, n_chunks - nbuf), n_chunks):
            if puts[c] is not None:
                puts[c].wait()

    return k


def kernel(tokens, W_E):
    R, C = tokens.shape
    D = W_E.shape[1]
    out = _make_gather(R, C, D, _CHUNK, _NBUF)(W_E, tokens)
    return out.reshape(tokens.shape + (D,))

# --- scband reference (transcript-rebuilt; emitter-appended) ---
"""Pipeline reference for scband-embed-30777735643370 (READ-ONLY COPY).

The authoritative reference and input builder live on the scoring server;
editing this copy changes nothing except your own understanding.
"""

import jax, jax.numpy as jnp
import numpy as np

D_VOCAB = 100000
D_MODEL = 768
INIT_RANGE = 0.02

def setup_inputs(seed: int = 0) -> dict:
    key = jax.random.key(seed)
    k_tok, k_w = jax.random.split(key)
    tokens = jax.random.randint(k_tok, (4, 2048), 0, D_VOCAB, dtype=jnp.int64 if jax.config.jax_enable_x64 else jnp.int32)
    W_E = jax.random.normal(k_w, (D_VOCAB, D_MODEL), dtype=jnp.float32) * INIT_RANGE
    return {"tokens": tokens, "W_E": W_E}

def reference(tokens, W_E):
    # Faithful translation of: return self.W_E[tokens]
    return jnp.take(W_E, tokens, axis=0)

if __name__ == "__main__":
    import jax
    _d = setup_inputs()
    print(jax.jit(kernel)(*tuple(_d.values())))

</pallas_src>

<mosaic_0001>
#map = affine_map<(d0, d1) -> (0, 0)>
module attributes {stable_mosaic.version = 14 : i64} {
  func.func @k(%arg0: i32, %arg1: i32, %arg2: memref<100000x768xf32, #tpu.memory_space<hbm>>, %arg3: memref<4x2048xi32, #tpu.memory_space<hbm>>, %arg4: memref<8192x768xf32, #tpu.memory_space<hbm>>, %arg5: memref<256xi32, #tpu.memory_space<vmem>>, %arg6: memref<5x32x768xf32, #tpu.memory_space<vmem>>, %arg7: memref<!tpu.dma_semaphore, #tpu.memory_space<semaphore_mem>>, %arg8: memref<!tpu.dma_semaphore, #tpu.memory_space<semaphore_mem>>, %arg9: memref<!tpu.dma_semaphore, #tpu.memory_space<semaphore_mem>>, %arg10: memref<!tpu.dma_semaphore, #tpu.memory_space<semaphore_mem>>, %arg11: memref<!tpu.dma_semaphore, #tpu.memory_space<semaphore_mem>>, %arg12: memref<!tpu.dma_semaphore, #tpu.memory_space<semaphore_mem>>, %arg13: memref<!tpu.dma_semaphore, #tpu.memory_space<semaphore_mem>>, %arg14: memref<!tpu.dma_semaphore, #tpu.memory_space<semaphore_mem>>, %arg15: memref<!tpu.dma_semaphore, #tpu.memory_space<semaphore_mem>>, %arg16: memref<!tpu.dma_semaphore, #tpu.memory_space<semaphore_mem>>) attributes {dimension_semantics = [#tpu.dimension_semantics<core_parallel>, #tpu.dimension_semantics<subcore_parallel>], iteration_bounds = array<i64: 2, 16>, scalar_prefetch = 0 : i64, scratch_operands = 12 : i64, tpu.core_type = #tpu.core_type<sc_vector_subcore>, window_params = [{transform_indices = #map}, {transform_indices = #map}, {transform_indices = #map}]} {
    %mul3A = arith.constant 2 : i32
    %mul3A_0 = arith.muli %arg1, %mul3A : i32
    %add3A = arith.addi %mul3A_0, %arg0 : i32
    %mul3A_1 = arith.constant 256 : i32
    %mul3A_2 = arith.muli %add3A, %mul3A_1 : i32
    %jit3A = arith.constant 8 : i32
    %div3A = arith.divsi %add3A, %jit3A : i32
    %sign3A = arith.constant 0 : i32
    %sign3A_3 = arith.cmpi sgt, %add3A, %sign3A : i32
    %sign3A_4 = arith.extui %sign3A_3 : i1 to i32
    %sign3A_5 = arith.constant 0 : i32
    %sign3A_6 = arith.cmpi slt, %add3A, %sign3A_5 : i32
    %sign3A_7 = arith.extui %sign3A_6 : i1 to i32
    %sign3A_8 = arith.subi %sign3A_4, %sign3A_7 : i32
    %sign3A_9 = arith.constant 0 : i32
    %sign3A_10 = arith.cmpi sgt, %jit3A, %sign3A_9 : i32
    %sign3A_11 = arith.extui %sign3A_10 : i1 to i32
    %sign3A_12 = arith.constant 0 : i32
    %sign3A_13 = arith.cmpi slt, %jit3A, %sign3A_12 : i32
    %sign3A_14 = arith.extui %sign3A_13 : i1 to i32
    %sign3A_15 = arith.subi %sign3A_11, %sign3A_14 : i32
    %ne3A = arith.cmpi ne, %sign3A_8, %sign3A_15 : i32
    %rem3A = arith.remsi %add3A, %jit3A : i32
    %ne3A_16 = arith.constant 0 : i32
    %ne3A_17 = arith.cmpi ne, %rem3A, %ne3A_16 : i32
    %and3A = arith.andi %ne3A, %ne3A_17 : i1
    %sub3A = arith.constant 1 : i32
    %sub3A_18 = arith.subi %div3A, %sub3A : i32
    %select_n3A = arith.select %and3A, %sub3A_18, %div3A : i32
    %jit3A_19 = arith.constant 8 : i32
    %eq3A = arith.constant 0 : i32
    %eq3A_20 = arith.cmpi eq, %jit3A_19, %eq3A : i32
    %jit3A_21 = arith.constant 1 : i32
    %select_n3A_22 = arith.select %eq3A_20, %jit3A_21, %jit3A_19 : i32
    %rem3A_23 = arith.remsi %add3A, %select_n3A_22 : i32
    %ne3A_24 = arith.constant 0 : i32
    %ne3A_25 = arith.cmpi ne, %rem3A_23, %ne3A_24 : i32
    %lt3A = arith.constant 0 : i32
    %lt3A_26 = arith.cmpi slt, %rem3A_23, %lt3A : i32
    %lt3A_27 = arith.constant 0 : i32
    %lt3A_28 = arith.cmpi slt, %select_n3A_22, %lt3A_27 : i32
    %ne3A_29 = arith.xori %lt3A_26, %lt3A_28 : i1
    %and3A_30 = arith.andi %ne3A_29, %ne3A_25 : i1
    %add3A_31 = arith.addi %rem3A_23, %select_n3A_22 : i32
    %select_n3A_32 = arith.select %and3A_30, %add3A_31, %rem3A_23 : i32
    %mul3A_33 = arith.constant 256 : i32
    %mul3A_34 = arith.muli %select_n3A_32, %mul3A_33 : i32
    "tpu.region"() ({
      %run_scoped3A = tpu.sem_alloc : memref<!tpu.dma_semaphore, #tpu.memory_space<semaphore_mem>>
      %dma_start3A_419 = arith.constant 0 : i32
      %dma_start3A_420 = tpu.memref_slice %arg5[%dma_start3A_419] : memref<256xi32, #tpu.memory_space<vmem>> -> memref<128xi32, #tpu.memory_space<vmem>>
      %dma_start3A_421 = tpu.memref_slice %arg3[%select_n3A, %mul3A_34] : memref<4x2048xi32, #tpu.memory_space<hbm>> -> memref<1x128xi32, #tpu.memory_space<hbm>>
      %dma_start3A_422 = tpu.memref_squeeze %dma_start3A_421 : memref<1x128xi32, #tpu.memory_space<hbm>> -> memref<128xi32, #tpu.memory_space<hbm>>
      %dma_start3A_423 = arith.constant 0 : i32
      %dma_start3A_424 = tpu.memref_slice %arg5[%dma_start3A_423] : memref<256xi32, #tpu.memory_space<vmem>> -> memref<128xi32, #tpu.memory_space<vmem>>
      %dma_start3A_425 = tpu.memref_slice %arg3[%select_n3A, %mul3A_34] : memref<4x2048xi32, #tpu.memory_space<hbm>> -> memref<1x128xi32, #tpu.memory_space<hbm>>
      %dma_start3A_426 = tpu.memref_squeeze %dma_start3A_425 : memref<1x128xi32, #tpu.memory_space<hbm>> -> memref<128xi32, #tpu.memory_space<hbm>>
      tpu.enqueue_dma source(%dma_start3A_426 : memref<128xi32, #tpu.memory_space<hbm>>) target(%dma_start3A_424 : memref<128xi32, #tpu.memory_space<vmem>>) target_semaphore(%run_scoped3A : memref<!tpu.dma_semaphore, #tpu.memory_space<semaphore_mem>>)
      %dma_wait3A_427 = arith.constant 0 : i32
      %dma_wait3A_428 = tpu.memref_slice %arg5[%dma_wait3A_427] : memref<256xi32, #tpu.memory_space<vmem>> -> memref<128xi32, #tpu.memory_space<vmem>>
      %dma_wait3A_429 = tpu.memref_slice %arg3[%select_n3A, %mul3A_34] : memref<4x2048xi32, #tpu.memory_space<hbm>> -> memref<1x128xi32, #tpu.memory_space<hbm>>
      %dma_wait3A_430 = tpu.memref_squeeze %dma_wait3A_429 : memref<1x128xi32, #tpu.memory_space<hbm>> -> memref<128xi32, #tpu.memory_space<hbm>>
      %dma_wait3A_431 = arith.constant 0 : i32
      %dma_wait3A_432 = tpu.memref_slice %arg5[%dma_wait3A_431] : memref<256xi32, #tpu.memory_space<vmem>> -> memref<128xi32, #tpu.memory_space<vmem>>
      %dma_wait3A_433 = tpu.memref_slice %arg3[%select_n3A, %mul3A_34] : memref<4x2048xi32, #tpu.memory_space<hbm>> -> memref<1x128xi32, #tpu.memory_space<hbm>>
      %dma_wait3A_434 = tpu.memref_squeeze %dma_wait3A_433 : memref<1x128xi32, #tpu.memory_space<hbm>> -> memref<128xi32, #tpu.memory_space<hbm>>
      tpu.wait_dma2 semaphore(%run_scoped3A : memref<!tpu.dma_semaphore, #tpu.memory_space<semaphore_mem>>) src(%dma_wait3A_434 : memref<128xi32, #tpu.memory_space<hbm>>) dst(%dma_wait3A_432 : memref<128xi32, #tpu.memory_space<vmem>>)
      tpu.yield
    }) : () -> ()
    %dma_start3A = arith.constant 0 : i32
    %dma_start3A_35 = arith.constant 0 : i32
    %dma_start3A_36 = arith.constant 0 : i32
    %dma_start3A_37 = tpu.memref_slice %arg6[%dma_start3A, %dma_start3A_35, %dma_start3A_36] : memref<5x32x768xf32, #tpu.memory_space<vmem>> -> memref<1x32x768xf32, #tpu.memory_space<vmem>>
    %dma_start3A_38 = tpu.memref_squeeze %dma_start3A_37 : memref<1x32x768xf32, #tpu.memory_space<vmem>> -> memref<32x768xf32, #tpu.memory_space<vmem>>
    %dma_start3A_39 = arith.constant 0 : i32
    %dma_start3A_40 = tpu.memref_slice %arg5[%dma_start3A_39] : memref<256xi32, #tpu.memory_space<vmem>> -> memref<32xi32, #tpu.memory_space<vmem>>
    %dma_start3A_41 = arith.constant 0 : i32
    %dma_start3A_42 = arith.constant 0 : i32
    %dma_start3A_43 = tpu.memref_slice %arg2[%dma_start3A_41, %dma_start3A_42] : memref<100000x768xf32, #tpu.memory_space<hbm>> -> memref<100000x768xf32, #tpu.memory_space<hbm>>
    tpu.enqueue_indirect_dma source(%dma_start3A_43 : memref<100000x768xf32, #tpu.memory_space<hbm>>) target(%dma_start3A_38 : memref<32x768xf32, #tpu.memory_space<vmem>>) offsets(%dma_start3A_40 : memref<32xi32, #tpu.memory_space<vmem>>) semaphore(%arg7 : memref<!tpu.dma_semaphore, #tpu.memory_space<semaphore_mem>>)
    %dma_start3A_44 = arith.constant 1 : i32
    %dma_start3A_45 = arith.constant 0 : i32
    %dma_start3A_46 = arith.constant 0 : i32
    %dma_start3A_47 = tpu.memref_slice %arg6[%dma_start3A_44, %dma_start3A_45, %dma_start3A_46] : memref<5x32x768xf32, #tpu.memory_space<vmem>> -> memref<1x32x768xf32, #tpu.memory_space<vmem>>
    %dma_start3A_48 = tpu.memref_squeeze %dma_start3A_47 : memref<1x32x768xf32, #tpu.memory_space<vmem>> -> memref<32x768xf32, #tpu.memory_space<vmem>>
    %dma_start3A_49 = arith.constant 32 : i32
    %dma_start3A_50 = tpu.memref_slice %arg5[%dma_start3A_49] : memref<256xi32, #tpu.memory_space<vmem>> -> memref<32xi32, #tpu.memory_space<vmem>>
    %dma_start3A_51 = arith.constant 0 : i32
    %dma_start3A_52 = arith.constant 0 : i32
    %dma_start3A_53 = tpu.memref_slice %arg2[%dma_start3A_51, %dma_start3A_52] : memref<100000x768xf32, #tpu.memory_space<hbm>> -> memref<100000x768xf32, #tpu.memory_space<hbm>>
    tpu.enqueue_indirect_dma source(%dma_start3A_53 : memref<100000x768xf32, #tpu.memory_space<hbm>>) target(%dma_start3A_48 : memref<32x768xf32, #tpu.memory_space<vmem>>) offsets(%dma_start3A_50 : memref<32xi32, #tpu.memory_space<vmem>>) semaphore(%arg8 : memref<!tpu.dma_semaphore, #tpu.memory_space<semaphore_mem>>)
    %dma_start3A_54 = arith.constant 2 : i32
    %dma_start3A_55 = arith.constant 0 : i32
    %dma_start3A_56 = arith.constant 0 : i32
    %dma_start3A_57 = tpu.memref_slice %arg6[%dma_start3A_54, %dma_start3A_55, %dma_start3A_56] : memref<5x32x768xf32, #tpu.memory_space<vmem>> -> memref<1x32x768xf32, #tpu.memory_space<vmem>>
    %dma_start3A_58 = tpu.memref_squeeze %dma_start3A_57 : memref<1x32x768xf32, #tpu.memory_space<vmem>> -> memref<32x768xf32, #tpu.memory_space<vmem>>
    %dma_start3A_59 = arith.constant 64 : i32
    %dma_start3A_60 = tpu.memref_slice %arg5[%dma_start3A_59] : memref<256xi32, #tpu.memory_space<vmem>> -> memref<32xi32, #tpu.memory_space<vmem>>
    %dma_start3A_61 = arith.constant 0 : i32
    %dma_start3A_62 = arith.constant 0 : i32
    %dma_start3A_63 = tpu.memref_slice %arg2[%dma_start3A_61, %dma_start3A_62] : memref<100000x768xf32, #tpu.memory_space<hbm>> -> memref<100000x768xf32, #tpu.memory_space<hbm>>
    tpu.enqueue_indirect_dma source(%dma_start3A_63 : memref<100000x768xf32, #tpu.memory_space<hbm>>) target(%dma_start3A_58 : memref<32x768xf32, #tpu.memory_space<vmem>>) offsets(%dma_start3A_60 : memref<32xi32, #tpu.memory_space<vmem>>) semaphore(%arg9 : memref<!tpu.dma_semaphore, #tpu.memory_space<semaphore_mem>>)
    %dma_start3A_64 = arith.constant 3 : i32
    %dma_start3A_65 = arith.constant 0 : i32
    %dma_start3A_66 = arith.constant 0 : i32
    %dma_start3A_67 = tpu.memref_slice %arg6[%dma_start3A_64, %dma_start3A_65, %dma_start3A_66] : memref<5x32x768xf32, #tpu.memory_space<vmem>> -> memref<1x32x768xf32, #tpu.memory_space<vmem>>
    %dma_start3A_68 = tpu.memref_squeeze %dma_start3A_67 : memref<1x32x768xf32, #tpu.memory_space<vmem>> -> memref<32x768xf32, #tpu.memory_space<vmem>>
    %dma_start3A_69 = arith.constant 96 : i32
    %dma_start3A_70 = tpu.memref_slice %arg5[%dma_start3A_69] : memref<256xi32, #tpu.memory_space<vmem>> -> memref<32xi32, #tpu.memory_space<vmem>>
    %dma_start3A_71 = arith.constant 0 : i32
    %dma_start3A_72 = arith.constant 0 : i32
    %dma_start3A_73 = tpu.memref_slice %arg2[%dma_start3A_71, %dma_start3A_72] : memref<100000x768xf32, #tpu.memory_space<hbm>> -> memref<100000x768xf32, #tpu.memory_space<hbm>>
    tpu.enqueue_indirect_dma source(%dma_start3A_73 : memref<100000x768xf32, #tpu.memory_space<hbm>>) target(%dma_start3A_68 : memref<32x768xf32, #tpu.memory_space<vmem>>) offsets(%dma_start3A_70 : memref<32xi32, #tpu.memory_space<vmem>>) semaphore(%arg10 : memref<!tpu.dma_semaphore, #tpu.memory_space<semaphore_mem>>)
    %add3A_74 = arith.constant 128 : i32
    %add3A_75 = arith.addi %mul3A_34, %add3A_74 : i32
    "tpu.region"() ({
      %run_scoped3A = tpu.sem_alloc : memref<!tpu.dma_semaphore, #tpu.memory_space<semaphore_mem>>
      %dma_start3A_419 = arith.constant 128 : i32
      %dma_start3A_420 = tpu.memref_slice %arg5[%dma_start3A_419] : memref<256xi32, #tpu.memory_space<vmem>> -> memref<128xi32, #tpu.memory_space<vmem>>
      %dma_start3A_421 = tpu.memref_slice %arg3[%select_n3A, %add3A_75] : memref<4x2048xi32, #tpu.memory_space<hbm>> -> memref<1x128xi32, #tpu.memory_space<hbm>>
      %dma_start3A_422 = tpu.memref_squeeze %dma_start3A_421 : memref<1x128xi32, #tpu.memory_space<hbm>> -> memref<128xi32, #tpu.memory_space<hbm>>
      %dma_start3A_423 = arith.constant 128 : i32
      %dma_start3A_424 = tpu.memref_slice %arg5[%dma_start3A_423] : memref<256xi32, #tpu.memory_space<vmem>> -> memref<128xi32, #tpu.memory_space<vmem>>
      %dma_start3A_425 = tpu.memref_slice %arg3[%select_n3A, %add3A_75] : memref<4x2048xi32, #tpu.memory_space<hbm>> -> memref<1x128xi32, #tpu.memory_space<hbm>>
      %dma_start3A_426 = tpu.memref_squeeze %dma_start3A_425 : memref<1x128xi32, #tpu.memory_space<hbm>> -> memref<128xi32, #tpu.memory_space<hbm>>
      tpu.enqueue_dma source(%dma_start3A_426 : memref<128xi32, #tpu.memory_space<hbm>>) target(%dma_start3A_424 : memref<128xi32, #tpu.memory_space<vmem>>) target_semaphore(%run_scoped3A : memref<!tpu.dma_semaphore, #tpu.memory_space<semaphore_mem>>)
      %dma_wait3A_427 = arith.constant 128 : i32
      %dma_wait3A_428 = tpu.memref_slice %arg5[%dma_wait3A_427] : memref<256xi32, #tpu.memory_space<vmem>> -> memref<128xi32, #tpu.memory_space<vmem>>
      %dma_wait3A_429 = tpu.memref_slice %arg3[%select_n3A, %add3A_75] : memref<4x2048xi32, #tpu.memory_space<hbm>> -> memref<1x128xi32, #tpu.memory_space<hbm>>
      %dma_wait3A_430 = tpu.memref_squeeze %dma_wait3A_429 : memref<1x128xi32, #tpu.memory_space<hbm>> -> memref<128xi32, #tpu.memory_space<hbm>>
      %dma_wait3A_431 = arith.constant 128 : i32
      %dma_wait3A_432 = tpu.memref_slice %arg5[%dma_wait3A_431] : memref<256xi32, #tpu.memory_space<vmem>> -> memref<128xi32, #tpu.memory_space<vmem>>
      %dma_wait3A_433 = tpu.memref_slice %arg3[%select_n3A, %add3A_75] : memref<4x2048xi32, #tpu.memory_space<hbm>> -> memref<1x128xi32, #tpu.memory_space<hbm>>
      %dma_wait3A_434 = tpu.memref_squeeze %dma_wait3A_433 : memref<1x128xi32, #tpu.memory_space<hbm>> -> memref<128xi32, #tpu.memory_space<hbm>>
      tpu.wait_dma2 semaphore(%run_scoped3A : memref<!tpu.dma_semaphore, #tpu.memory_space<semaphore_mem>>) src(%dma_wait3A_434 : memref<128xi32, #tpu.memory_space<hbm>>) dst(%dma_wait3A_432 : memref<128xi32, #tpu.memory_space<vmem>>)
      tpu.yield
    }) : () -> ()
    %dma_start3A_76 = arith.constant 4 : i32
    %dma_start3A_77 = arith.constant 0 : i32
    %dma_start3A_78 = arith.constant 0 : i32
    %dma_start3A_79 = tpu.memref_slice %arg6[%dma_start3A_76, %dma_start3A_77, %dma_start3A_78] : memref<5x32x768xf32, #tpu.memory_space<vmem>> -> memref<1x32x768xf32, #tpu.memory_space<vmem>>
    %dma_start3A_80 = tpu.memref_squeeze %dma_start3A_79 : memref<1x32x768xf32, #tpu.memory_space<vmem>> -> memref<32x768xf32, #tpu.memory_space<vmem>>
    %dma_start3A_81 = arith.constant 128 : i32
    %dma_start3A_82 = tpu.memref_slice %arg5[%dma_start3A_81] : memref<256xi32, #tpu.memory_space<vmem>> -> memref<32xi32, #tpu.memory_space<vmem>>
    %dma_start3A_83 = arith.constant 0 : i32
    %dma_start3A_84 = arith.constant 0 : i32
    %dma_start3A_85 = tpu.memref_slice %arg2[%dma_start3A_83, %dma_start3A_84] : memref<100000x768xf32, #tpu.memory_space<hbm>> -> memref<100000x768xf32, #tpu.memory_space<hbm>>
    tpu.enqueue_indirect_dma source(%dma_start3A_85 : memref<100000x768xf32, #tpu.memory_space<hbm>>) target(%dma_start3A_80 : memref<32x768xf32, #tpu.memory_space<vmem>>) offsets(%dma_start3A_82 : memref<32xi32, #tpu.memory_space<vmem>>) semaphore(%arg11 : memref<!tpu.dma_semaphore, #tpu.memory_space<semaphore_mem>>)
    %dma_wait3A = arith.constant 0 : i32
    %dma_wait3A_86 = arith.constant 0 : i32
    %dma_wait3A_87 = arith.constant 0 : i32
    %dma_wait3A_88 = tpu.memref_slice %arg6[%dma_wait3A, %dma_wait3A_86, %dma_wait3A_87] : memref<5x32x768xf32, #tpu.memory_space<vmem>> -> memref<1x32x768xf32, #tpu.memory_space<vmem>>
    %dma_wait3A_89 = tpu.memref_squeeze %dma_wait3A_88 : memref<1x32x768xf32, #tpu.memory_space<vmem>> -> memref<32x768xf32, #tpu.memory_space<vmem>>
    %dma_wait3A_90 = arith.constant 0 : i32
    %dma_wait3A_91 = tpu.memref_slice %arg5[%dma_wait3A_90] : memref<256xi32, #tpu.memory_space<vmem>> -> memref<32xi32, #tpu.memory_space<vmem>>
    %dma_wait3A_92 = arith.constant 0 : i32
    %dma_wait3A_93 = arith.constant 0 : i32
    %dma_wait3A_94 = tpu.memref_slice %arg2[%dma_wait3A_92, %dma_wait3A_93] : memref<100000x768xf32, #tpu.memory_space<hbm>> -> memref<100000x768xf32, #tpu.memory_space<hbm>>
    tpu.wait_indirect_dma semaphore(%arg7 : memref<!tpu.dma_semaphore, #tpu.memory_space<semaphore_mem>>) src(%dma_wait3A_94 : memref<100000x768xf32, #tpu.memory_space<hbm>>) dst(%dma_wait3A_89 : memref<32x768xf32, #tpu.memory_space<vmem>>)
    %add3A_95 = arith.constant 0 : i32
    %add3A_96 = arith.addi %mul3A_2, %add3A_95 : i32
    %dma_start3A_97 = arith.constant 0 : i32
    %dma_start3A_98 = arith.constant 0 : i32
    %dma_start3A_99 = arith.constant 0 : i32
    %dma_start3A_100 = tpu.memref_slice %arg6[%dma_start3A_97, %dma_start3A_98, %dma_start3A_99] : memref<5x32x768xf32, #tpu.memory_space<vmem>> -> memref<1x32x768xf32, #tpu.memory_space<vmem>>
    %dma_start3A_101 = tpu.memref_squeeze %dma_start3A_100 : memref<1x32x768xf32, #tpu.memory_space<vmem>> -> memref<32x768xf32, #tpu.memory_space<vmem>>
    %dma_start3A_102 = arith.constant 0 : i32
    %dma_start3A_103 = tpu.memref_slice %arg4[%add3A_96, %dma_start3A_102] : memref<8192x768xf32, #tpu.memory_space<hbm>> -> memref<32x768xf32, #tpu.memory_space<hbm>>
    %dma_start3A_104 = arith.constant 0 : i32
    %dma_start3A_105 = tpu.memref_slice %arg4[%add3A_96, %dma_start3A_104] : memref<8192x768xf32, #tpu.memory_space<hbm>> -> memref<32x768xf32, #tpu.memory_space<hbm>>
    %dma_start3A_106 = arith.constant 0 : i32
    %dma_start3A_107 = arith.constant 0 : i32
    %dma_start3A_108 = tpu.memref_slice %arg6[%dma_start3A_97, %dma_start3A_106, %dma_start3A_107] : memref<5x32x768xf32, #tpu.memory_space<vmem>> -> memref<1x32x768xf32, #tpu.memory_space<vmem>>
    %dma_start3A_109 = tpu.memref_squeeze %dma_start3A_108 : memref<1x32x768xf32, #tpu.memory_space<vmem>> -> memref<32x768xf32, #tpu.memory_space<vmem>>
    tpu.enqueue_dma source(%dma_start3A_109 : memref<32x768xf32, #tpu.memory_space<vmem>>) target(%dma_start3A_105 : memref<32x768xf32, #tpu.memory_space<hbm>>) target_semaphore(%arg12 : memref<!tpu.dma_semaphore, #tpu.memory_space<semaphore_mem>>)
    %dma_wait3A_110 = arith.constant 0 : i32
    %dma_wait3A_111 = arith.constant 0 : i32
    %dma_wait3A_112 = arith.constant 0 : i32
    %dma_wait3A_113 = tpu.memref_slice %arg6[%dma_wait3A_110, %dma_wait3A_111, %dma_wait3A_112] : memref<5x32x768xf32, #tpu.memory_space<vmem>> -> memref<1x32x768xf32, #tpu.memory_space<vmem>>
    %dma_wait3A_114 = tpu.memref_squeeze %dma_wait3A_113 : memref<1x32x768xf32, #tpu.memory_space<vmem>> -> memref<32x768xf32, #tpu.memory_space<vmem>>
    %dma_wait3A_115 = arith.constant 0 : i32
    %dma_wait3A_116 = tpu.memref_slice %arg4[%add3A_96, %dma_wait3A_115] : memref<8192x768xf32, #tpu.memory_space<hbm>> -> memref<32x768xf32, #tpu.memory_space<hbm>>
    %dma_wait3A_117 = arith.constant 0 : i32
    %dma_wait3A_118 = tpu.memref_slice %arg4[%add3A_96, %dma_wait3A_117] : memref<8192x768xf32, #tpu.memory_space<hbm>> -> memref<32x768xf32, #tpu.memory_space<hbm>>
    %dma_wait3A_119 = arith.constant 0 : i32
    %dma_wait3A_120 = arith.constant 0 : i32
    %dma_wait3A_121 = tpu.memref_slice %arg6[%dma_wait3A_110, %dma_wait3A_119, %dma_wait3A_120] : memref<5x32x768xf32, #tpu.memory_space<vmem>> -> memref<1x32x768xf32, #tpu.memory_space<vmem>>
    %dma_wait3A_122 = tpu.memref_squeeze %dma_wait3A_121 : memref<1x32x768xf32, #tpu.memory_space<vmem>> -> memref<32x768xf32, #tpu.memory_space<vmem>>
    tpu.wait_dma2 semaphore(%arg12 : memref<!tpu.dma_semaphore, #tpu.memory_space<semaphore_mem>>) src(%dma_wait3A_122 : memref<32x768xf32, #tpu.memory_space<vmem>>) dst(%dma_wait3A_118 : memref<32x768xf32, #tpu.memory_space<hbm>>)
    %dma_start3A_123 = arith.constant 0 : i32
    %dma_start3A_124 = arith.constant 0 : i32
    %dma_start3A_125 = arith.constant 0 : i32
    %dma_start3A_126 = tpu.memref_slice %arg6[%dma_start3A_123, %dma_start3A_124, %dma_start3A_125] : memref<5x32x768xf32, #tpu.memory_space<vmem>> -> memref<1x32x768xf32, #tpu.memory_space<vmem>>
    %dma_start3A_127 = tpu.memref_squeeze %dma_start3A_126 : memref<1x32x768xf32, #tpu.memory_space<vmem>> -> memref<32x768xf32, #tpu.memory_space<vmem>>
    %dma_start3A_128 = arith.constant 160 : i32
    %dma_start3A_129 = tpu.memref_slice %arg5[%dma_start3A_128] : memref<256xi32, #tpu.memory_space<vmem>> -> memref<32xi32, #tpu.memory_space<vmem>>
    %dma_start3A_130 = arith.constant 0 : i32
    %dma_start3A_131 = arith.constant 0 : i32
    %dma_start3A_132 = tpu.memref_slice %arg2[%dma_start3A_130, %dma_start3A_131] : memref<100000x768xf32, #tpu.memory_space<hbm>> -> memref<100000x768xf32, #tpu.memory_space<hbm>>
    tpu.enqueue_indirect_dma source(%dma_start3A_132 : memref<100000x768xf32, #tpu.memory_space<hbm>>) target(%dma_start3A_127 : memref<32x768xf32, #tpu.memory_space<vmem>>) offsets(%dma_start3A_129 : memref<32xi32, #tpu.memory_space<vmem>>) semaphore(%arg7 : memref<!tpu.dma_semaphore, #tpu.memory_space<semaphore_mem>>)
    %dma_wait3A_133 = arith.constant 1 : i32
    %dma_wait3A_134 = arith.constant 0 : i32
    %dma_wait3A_135 = arith.constant 0 : i32
    %dma_wait3A_136 = tpu.memref_slice %arg6[%dma_wait3A_133, %dma_wait3A_134, %dma_wait3A_135] : memref<5x32x768xf32, #tpu.memory_space<vmem>> -> memref<1x32x768xf32, #tpu.memory_space<vmem>>
    %dma_wait3A_137 = tpu.memref_squeeze %dma_wait3A_136 : memref<1x32x768xf32, #tpu.memory_space<vmem>> -> memref<32x768xf32, #tpu.memory_space<vmem>>
    %dma_wait3A_138 = arith.constant 32 : i32
    %dma_wait3A_139 = tpu.memref_slice %arg5[%dma_wait3A_138] : memref<256xi32, #tpu.memory_space<vmem>> -> memref<32xi32, #tpu.memory_space<vmem>>
    %dma_wait3A_140 = arith.constant 0 : i32
    %dma_wait3A_141 = arith.constant 0 : i32
    %dma_wait3A_142 = tpu.memref_slice %arg2[%dma_wait3A_140, %dma_wait3A_141] : memref<100000x768xf32, #tpu.memory_space<hbm>> -> memref<100000x768xf32, #tpu.memory_space<hbm>>
    tpu.wait_indirect_dma semaphore(%arg8 : memref<!tpu.dma_semaphore, #tpu.memory_space<semaphore_mem>>) src(%dma_wait3A_142 : memref<100000x768xf32, #tpu.memory_space<hbm>>) dst(%dma_wait3A_137 : memref<32x768xf32, #tpu.memory_space<vmem>>)
    %add3A_143 = arith.constant 32 : i32
    %add3A_144 = arith.addi %mul3A_2, %add3A_143 : i32
    %dma_start3A_145 = arith.constant 1 : i32
    %dma_start3A_146 = arith.constant 0 : i32
    %dma_start3A_147 = arith.constant 0 : i32
    %dma_start3A_148 = tpu.memref_slice %arg6[%dma_start3A_145, %dma_start3A_146, %dma_start3A_147] : memref<5x32x768xf32, #tpu.memory_space<vmem>> -> memref<1x32x768xf32, #tpu.memory_space<vmem>>
    %dma_start3A_149 = tpu.memref_squeeze %dma_start3A_148 : memref<1x32x768xf32, #tpu.memory_space<vmem>> -> memref<32x768xf32, #tpu.memory_space<vmem>>
    %dma_start3A_150 = arith.constant 0 : i32
    %dma_start3A_151 = tpu.memref_slice %arg4[%add3A_144, %dma_start3A_150] : memref<8192x768xf32, #tpu.memory_space<hbm>> -> memref<32x768xf32, #tpu.memory_space<hbm>>
    %dma_start3A_152 = arith.constant 0 : i32
    %dma_start3A_153 = tpu.memref_slice %arg4[%add3A_144, %dma_start3A_152] : memref<8192x768xf32, #tpu.memory_space<hbm>> -> memref<32x768xf32, #tpu.memory_space<hbm>>
    %dma_start3A_154 = arith.constant 0 : i32
    %dma_start3A_155 = arith.constant 0 : i32
    %dma_start3A_156 = tpu.memref_slice %arg6[%dma_start3A_145, %dma_start3A_154, %dma_start3A_155] : memref<5x32x768xf32, #tpu.memory_space<vmem>> -> memref<1x32x768xf32, #tpu.memory_space<vmem>>
    %dma_start3A_157 = tpu.memref_squeeze %dma_start3A_156 : memref<1x32x768xf32, #tpu.memory_space<vmem>> -> memref<32x768xf32, #tpu.memory_space<vmem>>
    tpu.enqueue_dma source(%dma_start3A_157 : memref<32x768xf32, #tpu.memory_space<vmem>>) target(%dma_start3A_153 : memref<32x768xf32, #tpu.memory_space<hbm>>) target_semaphore(%arg13 : memref<!tpu.dma_semaphore, #tpu.memory_space<semaphore_mem>>)
    %dma_wait3A_158 = arith.constant 1 : i32
    %dma_wait3A_159 = arith.constant 0 : i32
    %dma_wait3A_160 = arith.constant 0 : i32
    %dma_wait3A_161 = tpu.memref_slice %arg6[%dma_wait3A_158, %dma_wait3A_159, %dma_wait3A_160] : memref<5x32x768xf32, #tpu.memory_space<vmem>> -> memref<1x32x768xf32, #tpu.memory_space<vmem>>
    %dma_wait3A_162 = tpu.memref_squeeze %dma_wait3A_161 : memref<1x32x768xf32, #tpu.memory_space<vmem>> -> memref<32x768xf32, #tpu.memory_space<vmem>>
    %dma_wait3A_163 = arith.constant 0 : i32
    %dma_wait3A_164 = tpu.memref_slice %arg4[%add3A_144, %dma_wait3A_163] : memref<8192x768xf32, #tpu.memory_space<hbm>> -> memref<32x768xf32, #tpu.memory_space<hbm>>
    %dma_wait3A_165 = arith.constant 0 : i32
    %dma_wait3A_166 = tpu.memref_slice %arg4[%add3A_144, %dma_wait3A_165] : memref<8192x768xf32, #tpu.memory_space<hbm>> -> memref<32x768xf32, #tpu.memory_space<hbm>>
    %dma_wait3A_167 = arith.constant 0 : i32
    %dma_wait3A_168 = arith.constant 0 : i32
    %dma_wait3A_169 = tpu.memref_slice %arg6[%dma_wait3A_158, %dma_wait3A_167, %dma_wait3A_168] : memref<5x32x768xf32, #tpu.memory_space<vmem>> -> memref<1x32x768xf32, #tpu.memory_space<vmem>>
    %dma_wait3A_170 = tpu.memref_squeeze %dma_wait3A_169 : memref<1x32x768xf32, #tpu.memory_space<vmem>> -> memref<32x768xf32, #tpu.memory_space<vmem>>
    tpu.wait_dma2 semaphore(%arg13 : memref<!tpu.dma_semaphore, #tpu.memory_space<semaphore_mem>>) src(%dma_wait3A_170 : memref<32x768xf32, #tpu.memory_space<vmem>>) dst(%dma_wait3A_166 : memref<32x768xf32, #tpu.memory_space<hbm>>)
    %dma_start3A_171 = arith.constant 1 : i32
    %dma_start3A_172 = arith.constant 0 : i32
    %dma_start3A_173 = arith.constant 0 : i32
    %dma_start3A_174 = tpu.memref_slice %arg6[%dma_start3A_171, %dma_start3A_172, %dma_start3A_173] : memref<5x32x768xf32, #tpu.memory_space<vmem>> -> memref<1x32x768xf32, #tpu.memory_space<vmem>>
    %dma_start3A_175 = tpu.memref_squeeze %dma_start3A_174 : memref<1x32x768xf32, #tpu.memory_space<vmem>> -> memref<32x768xf32, #tpu.memory_space<vmem>>
    %dma_start3A_176 = arith.constant 192 : i32
    %dma_start3A_177 = tpu.memref_slice %arg5[%dma_start3A_176] : memref<256xi32, #tpu.memory_space<vmem>> -> memref<32xi32, #tpu.memory_space<vmem>>
    %dma_start3A_178 = arith.constant 0 : i32
    %dma_start3A_179 = arith.constant 0 : i32
    %dma_start3A_180 = tpu.memref_slice %arg2[%dma_start3A_178, %dma_start3A_179] : memref<100000x768xf32, #tpu.memory_space<hbm>> -> memref<100000x768xf32, #tpu.memory_space<hbm>>
    tpu.enqueue_indirect_dma source(%dma_start3A_180 : memref<100000x768xf32, #tpu.memory_space<hbm>>) target(%dma_start3A_175 : memref<32x768xf32, #tpu.memory_space<vmem>>) offsets(%dma_start3A_177 : memref<32xi32, #tpu.memory_space<vmem>>) semaphore(%arg8 : memref<!tpu.dma_semaphore, #tpu.memory_space<semaphore_mem>>)
    %dma_wait3A_181 = arith.constant 2 : i32
    %dma_wait3A_182 = arith.constant 0 : i32
    %dma_wait3A_183 = arith.constant 0 : i32
    %dma_wait3A_184 = tpu.memref_slice %arg6[%dma_wait3A_181, %dma_wait3A_182, %dma_wait3A_183] : memref<5x32x768xf32, #tpu.memory_space<vmem>> -> memref<1x32x768xf32, #tpu.memory_space<vmem>>
    %dma_wait3A_185 = tpu.memref_squeeze %dma_wait3A_184 : memref<1x32x768xf32, #tpu.memory_space<vmem>> -> memref<32x768xf32, #tpu.memory_space<vmem>>
    %dma_wait3A_186 = arith.constant 64 : i32
    %dma_wait3A_187 = tpu.memref_slice %arg5[%dma_wait3A_186] : memref<256xi32, #tpu.memory_space<vmem>> -> memref<32xi32, #tpu.memory_space<vmem>>
    %dma_wait3A_188 = arith.constant 0 : i32
    %dma_wait3A_189 = arith.constant 0 : i32
    %dma_wait3A_190 = tpu.memref_slice %arg2[%dma_wait3A_188, %dma_wait3A_189] : memref<100000x768xf32, #tpu.memory_space<hbm>> -> memref<100000x768xf32, #tpu.memory_space<hbm>>
    tpu.wait_indirect_dma semaphore(%arg9 : memref<!tpu.dma_semaphore, #tpu.memory_space<semaphore_mem>>) src(%dma_wait3A_190 : memref<100000x768xf32, #tpu.memory_space<hbm>>) dst(%dma_wait3A_185 : memref<32x768xf32, #tpu.memory_space<vmem>>)
    %add3A_191 = arith.constant 64 : i32
    %add3A_192 = arith.addi %mul3A_2, %add3A_191 : i32
    %dma_start3A_193 = arith.constant 2 : i32
    %dma_start3A_194 = arith.constant 0 : i32
    %dma_start3A_195 = arith.constant 0 : i32
    %dma_start3A_196 = tpu.memref_slice %arg6[%dma_start3A_193, %dma_start3A_194, %dma_start3A_195] : memref<5x32x768xf32, #tpu.memory_space<vmem>> -> memref<1x32x768xf32, #tpu.memory_space<vmem>>
    %dma_start3A_197 = tpu.memref_squeeze %dma_start3A_196 : memref<1x32x768xf32, #tpu.memory_space<vmem>> -> memref<32x768xf32, #tpu.memory_space<vmem>>
    %dma_start3A_198 = arith.constant 0 : i32
    %dma_start3A_199 = tpu.memref_slice %arg4[%add3A_192, %dma_start3A_198] : memref<8192x768xf32, #tpu.memory_space<hbm>> -> memref<32x768xf32, #tpu.memory_space<hbm>>
    %dma_start3A_200 = arith.constant 0 : i32
    %dma_start3A_201 = tpu.memref_slice %arg4[%add3A_192, %dma_start3A_200] : memref<8192x768xf32, #tpu.memory_space<hbm>> -> memref<32x768xf32, #tpu.memory_space<hbm>>
    %dma_start3A_202 = arith.constant 0 : i32
    %dma_start3A_203 = arith.constant 0 : i32
    %dma_start3A_204 = tpu.memref_slice %arg6[%dma_start3A_193, %dma_start3A_202, %dma_start3A_203] : memref<5x32x768xf32, #tpu.memory_space<vmem>> -> memref<1x32x768xf32, #tpu.memory_space<vmem>>
    %dma_start3A_205 = tpu.memref_squeeze %dma_start3A_204 : memref<1x32x768xf32, #tpu.memory_space<vmem>> -> memref<32x768xf32, #tpu.memory_space<vmem>>
    tpu.enqueue_dma source(%dma_start3A_205 : memref<32x768xf32, #tpu.memory_space<vmem>>) target(%dma_start3A_201 : memref<32x768xf32, #tpu.memory_space<hbm>>) target_semaphore(%arg14 : memref<!tpu.dma_semaphore, #tpu.memory_space<semaphore_mem>>)
    %dma_wait3A_206 = arith.constant 2 : i32
    %dma_wait3A_207 = arith.constant 0 : i32
    %dma_wait3A_208 = arith.constant 0 : i32
    %dma_wait3A_209 = tpu.memref_slice %arg6[%dma_wait3A_206, %dma_wait3A_207, %dma_wait3A_208] : memref<5x32x768xf32, #tpu.memory_space<vmem>> -> memref<1x32x768xf32, #tpu.memory_space<vmem>>
    %dma_wait3A_210 = tpu.memref_squeeze %dma_wait3A_209 : memref<1x32x768xf32, #tpu.memory_space<vmem>> -> memref<32x768xf32, #tpu.memory_space<vmem>>
    %dma_wait3A_211 = arith.constant 0 : i32
    %dma_wait3A_212 = tpu.memref_slice %arg4[%add3A_192, %dma_wait3A_211] : memref<8192x768xf32, #tpu.memory_space<hbm>> -> memref<32x768xf32, #tpu.memory_space<hbm>>
    %dma_wait3A_213 = arith.constant 0 : i32
    %dma_wait3A_214 = tpu.memref_slice %arg4[%add3A_192, %dma_wait3A_213] : memref<8192x768xf32, #tpu.memory_space<hbm>> -> memref<32x768xf32, #tpu.memory_space<hbm>>
    %dma_wait3A_215 = arith.constant 0 : i32
    %dma_wait3A_216 = arith.constant 0 : i32
    %dma_wait3A_217 = tpu.memref_slice %arg6[%dma_wait3A_206, %dma_wait3A_215, %dma_wait3A_216] : memref<5x32x768xf32, #tpu.memory_space<vmem>> -> memref<1x32x768xf32, #tpu.memory_space<vmem>>
    %dma_wait3A_218 = tpu.memref_squeeze %dma_wait3A_217 : memref<1x32x768xf32, #tpu.memory_space<vmem>> -> memref<32x768xf32, #tpu.memory_space<vmem>>
    tpu.wait_dma2 semaphore(%arg14 : memref<!tpu.dma_semaphore, #tpu.memory_space<semaphore_mem>>) src(%dma_wait3A_218 : memref<32x768xf32, #tpu.memory_space<vmem>>) dst(%dma_wait3A_214 : memref<32x768xf32, #tpu.memory_space<hbm>>)
    %dma_start3A_219 = arith.constant 2 : i32
    %dma_start3A_220 = arith.constant 0 : i32
    %dma_start3A_221 = arith.constant 0 : i32
    %dma_start3A_222 = tpu.memref_slice %arg6[%dma_start3A_219, %dma_start3A_220, %dma_start3A_221] : memref<5x32x768xf32, #tpu.memory_space<vmem>> -> memref<1x32x768xf32, #tpu.memory_space<vmem>>
    %dma_start3A_223 = tpu.memref_squeeze %dma_start3A_222 : memref<1x32x768xf32, #tpu.memory_space<vmem>> -> memref<32x768xf32, #tpu.memory_space<vmem>>
    %dma_start3A_224 = arith.constant 224 : i32
    %dma_start3A_225 = tpu.memref_slice %arg5[%dma_start3A_224] : memref<256xi32, #tpu.memory_space<vmem>> -> memref<32xi32, #tpu.memory_space<vmem>>
    %dma_start3A_226 = arith.constant 0 : i32
    %dma_start3A_227 = arith.constant 0 : i32
    %dma_start3A_228 = tpu.memref_slice %arg2[%dma_start3A_226, %dma_start3A_227] : memref<100000x768xf32, #tpu.memory_space<hbm>> -> memref<100000x768xf32, #tpu.memory_space<hbm>>
    tpu.enqueue_indirect_dma source(%dma_start3A_228 : memref<100000x768xf32, #tpu.memory_space<hbm>>) target(%dma_start3A_223 : memref<32x768xf32, #tpu.memory_space<vmem>>) offsets(%dma_start3A_225 : memref<32xi32, #tpu.memory_space<vmem>>) semaphore(%arg9 : memref<!tpu.dma_semaphore, #tpu.memory_space<semaphore_mem>>)
    %dma_wait3A_229 = arith.constant 3 : i32
    %dma_wait3A_230 = arith.constant 0 : i32
    %dma_wait3A_231 = arith.constant 0 : i32
    %dma_wait3A_232 = tpu.memref_slice %arg6[%dma_wait3A_229, %dma_wait3A_230, %dma_wait3A_231] : memref<5x32x768xf32, #tpu.memory_space<vmem>> -> memref<1x32x768xf32, #tpu.memory_space<vmem>>
    %dma_wait3A_233 = tpu.memref_squeeze %dma_wait3A_232 : memref<1x32x768xf32, #tpu.memory_space<vmem>> -> memref<32x768xf32, #tpu.memory_space<vmem>>
    %dma_wait3A_234 = arith.constant 96 : i32
    %dma_wait3A_235 = tpu.memref_slice %arg5[%dma_wait3A_234] : memref<256xi32, #tpu.memory_space<vmem>> -> memref<32xi32, #tpu.memory_space<vmem>>
    %dma_wait3A_236 = arith.constant 0 : i32
    %dma_wait3A_237 = arith.constant 0 : i32
    %dma_wait3A_238 = tpu.memref_slice %arg2[%dma_wait3A_236, %dma_wait3A_237] : memref<100000x768xf32, #tpu.memory_space<hbm>> -> memref<100000x768xf32, #tpu.memory_space<hbm>>
    tpu.wait_indirect_dma semaphore(%arg10 : memref<!tpu.dma_semaphore, #tpu.memory_space<semaphore_mem>>) src(%dma_wait3A_238 : memref<100000x768xf32, #tpu.memory_space<hbm>>) dst(%dma_wait3A_233 : memref<32x768xf32, #tpu.memory_space<vmem>>)
    %add3A_239 = arith.constant 96 : i32
    %add3A_240 = arith.addi %mul3A_2, %add3A_239 : i32
    %dma_start3A_241 = arith.constant 3 : i32
    %dma_start3A_242 = arith.constant 0 : i32
    %dma_start3A_243 = arith.constant 0 : i32
    %dma_start3A_244 = tpu.memref_slice %arg6[%dma_start3A_241, %dma_start3A_242, %dma_start3A_243] : memref<5x32x768xf32, #tpu.memory_space<vmem>> -> memref<1x32x768xf32, #tpu.memory_space<vmem>>
    %dma_start3A_245 = tpu.memref_squeeze %dma_start3A_244 : memref<1x32x768xf32, #tpu.memory_space<vmem>> -> memref<32x768xf32, #tpu.memory_space<vmem>>
    %dma_start3A_246 = arith.constant 0 : i32
    %dma_start3A_247 = tpu.memref_slice %arg4[%add3A_240, %dma_start3A_246] : memref<8192x768xf32, #tpu.memory_space<hbm>> -> memref<32x768xf32, #tpu.memory_space<hbm>>
    %dma_start3A_248 = arith.constant 0 : i32
    %dma_start3A_249 = tpu.memref_slice %arg4[%add3A_240, %dma_start3A_248] : memref<8192x768xf32, #tpu.memory_space<hbm>> -> memref<32x768xf32, #tpu.memory_space<hbm>>
    %dma_start3A_250 = arith.constant 0 : i32
    %dma_start3A_251 = arith.constant 0 : i32
    %dma_start3A_252 = tpu.memref_slice %arg6[%dma_start3A_241, %dma_start3A_250, %dma_start3A_251] : memref<5x32x768xf32, #tpu.memory_space<vmem>> -> memref<1x32x768xf32, #tpu.memory_space<vmem>>
    %dma_start3A_253 = tpu.memref_squeeze %dma_start3A_252 : memref<1x32x768xf32, #tpu.memory_space<vmem>> -> memref<32x768xf32, #tpu.memory_space<vmem>>
    tpu.enqueue_dma source(%dma_start3A_253 : memref<32x768xf32, #tpu.memory_space<vmem>>) target(%dma_start3A_249 : memref<32x768xf32, #tpu.memory_space<hbm>>) target_semaphore(%arg15 : memref<!tpu.dma_semaphore, #tpu.memory_space<semaphore_mem>>)
    %dma_wait3A_254 = arith.constant 4 : i32
    %dma_wait3A_255 = arith.constant 0 : i32
    %dma_wait3A_256 = arith.constant 0 : i32
    %dma_wait3A_257 = tpu.memref_slice %arg6[%dma_wait3A_254, %dma_wait3A_255, %dma_wait3A_256] : memref<5x32x768xf32, #tpu.memory_space<vmem>> -> memref<1x32x768xf32, #tpu.memory_space<vmem>>
    %dma_wait3A_258 = tpu.memref_squeeze %dma_wait3A_257 : memref<1x32x768xf32, #tpu.memory_space<vmem>> -> memref<32x768xf32, #tpu.memory_space<vmem>>
    %dma_wait3A_259 = arith.constant 128 : i32
    %dma_wait3A_260 = tpu.memref_slice %arg5[%dma_wait3A_259] : memref<256xi32, #tpu.memory_space<vmem>> -> memref<32xi32, #tpu.memory_space<vmem>>
    %dma_wait3A_261 = arith.constant 0 : i32
    %dma_wait3A_262 = arith.constant 0 : i32
    %dma_wait3A_263 = tpu.memref_slice %arg2[%dma_wait3A_261, %dma_wait3A_262] : memref<100000x768xf32, #tpu.memory_space<hbm>> -> memref<100000x768xf32, #tpu.memory_space<hbm>>
    tpu.wait_indirect_dma semaphore(%arg11 : memref<!tpu.dma_semaphore, #tpu.memory_space<semaphore_mem>>) src(%dma_wait3A_263 : memref<100000x768xf32, #tpu.memory_space<hbm>>) dst(%dma_wait3A_258 : memref<32x768xf32, #tpu.memory_space<vmem>>)
    %add3A_264 = arith.constant 128 : i32
    %add3A_265 = arith.addi %mul3A_2, %add3A_264 : i32
    %dma_start3A_266 = arith.constant 4 : i32
    %dma_start3A_267 = arith.constant 0 : i32
    %dma_start3A_268 = arith.constant 0 : i32
    %dma_start3A_269 = tpu.memref_slice %arg6[%dma_start3A_266, %dma_start3A_267, %dma_start3A_268] : memref<5x32x768xf32, #tpu.memory_space<vmem>> -> memref<1x32x768xf32, #tpu.memory_space<vmem>>
    %dma_start3A_270 = tpu.memref_squeeze %dma_start3A_269 : memref<1x32x768xf32, #tpu.memory_space<vmem>> -> memref<32x768xf32, #tpu.memory_space<vmem>>
    %dma_start3A_271 = arith.constant 0 : i32
    %dma_start3A_272 = tpu.memref_slice %arg4[%add3A_265, %dma_start3A_271] : memref<8192x768xf32, #tpu.memory_space<hbm>> -> memref<32x768xf32, #tpu.memory_space<hbm>>
    %dma_start3A_273 = arith.constant 0 : i32
    %dma_start3A_274 = tpu.memref_slice %arg4[%add3A_265, %dma_start3A_273] : memref<8192x768xf32, #tpu.memory_space<hbm>> -> memref<32x768xf32, #tpu.memory_space<hbm>>
    %dma_start3A_275 = arith.constant 0 : i32
    %dma_start3A_276 = arith.constant 0 : i32
    %dma_start3A_277 = tpu.memref_slice %arg6[%dma_start3A_266, %dma_start3A_275, %dma_start3A_276] : memref<5x32x768xf32, #tpu.memory_space<vmem>> -> memref<1x32x768xf32, #tpu.memory_space<vmem>>
    %dma_start3A_278 = tpu.memref_squeeze %dma_start3A_277 : memref<1x32x768xf32, #tpu.memory_space<vmem>> -> memref<32x768xf32, #tpu.memory_space<vmem>>
    tpu.enqueue_dma source(%dma_start3A_278 : memref<32x768xf32, #tpu.memory_space<vmem>>) target(%dma_start3A_274 : memref<32x768xf32, #tpu.memory_space<hbm>>) target_semaphore(%arg16 : memref<!tpu.dma_semaphore, #tpu.memory_space<semaphore_mem>>)
    %dma_wait3A_279 = arith.constant 0 : i32
    %dma_wait3A_280 = arith.constant 0 : i32
    %dma_wait3A_281 = arith.constant 0 : i32
    %dma_wait3A_282 = tpu.memref_slice %arg6[%dma_wait3A_279, %dma_wait3A_280, %dma_wait3A_281] : memref<5x32x768xf32, #tpu.memory_space<vmem>> -> memref<1x32x768xf32, #tpu.memory_space<vmem>>
    %dma_wait3A_283 = tpu.memref_squeeze %dma_wait3A_282 : memref<1x32x768xf32, #tpu.memory_space<vmem>> -> memref<32x768xf32, #tpu.memory_space<vmem>>
    %dma_wait3A_284 = arith.constant 160 : i32
    %dma_wait3A_285 = tpu.memref_slice %arg5[%dma_wait3A_284] : memref<256xi32, #tpu.memory_space<vmem>> -> memref<32xi32, #tpu.memory_space<vmem>>
    %dma_wait3A_286 = arith.constant 0 : i32
    %dma_wait3A_287 = arith.constant 0 : i32
    %dma_wait3A_288 = tpu.memref_slice %arg2[%dma_wait3A_286, %dma_wait3A_287] : memref<100000x768xf32, #tpu.memory_space<hbm>> -> memref<100000x768xf32, #tpu.memory_space<hbm>>
    tpu.wait_indirect_dma semaphore(%arg7 : memref<!tpu.dma_semaphore, #tpu.memory_space<semaphore_mem>>) src(%dma_wait3A_288 : memref<100000x768xf32, #tpu.memory_space<hbm>>) dst(%dma_wait3A_283 : memref<32x768xf32, #tpu.memory_space<vmem>>)
    %add3A_289 = arith.constant 160 : i32
    %add3A_290 = arith.addi %mul3A_2, %add3A_289 : i32
    %dma_start3A_291 = arith.constant 0 : i32
    %dma_start3A_292 = arith.constant 0 : i32
    %dma_start3A_293 = arith.constant 0 : i32
    %dma_start3A_294 = tpu.memref_slice %arg6[%dma_start3A_291, %dma_start3A_292, %dma_start3A_293] : memref<5x32x768xf32, #tpu.memory_space<vmem>> -> memref<1x32x768xf32, #tpu.memory_space<vmem>>
    %dma_start3A_295 = tpu.memref_squeeze %dma_start3A_294 : memref<1x32x768xf32, #tpu.memory_space<vmem>> -> memref<32x768xf32, #tpu.memory_space<vmem>>
    %dma_start3A_296 = arith.constant 0 : i32
    %dma_start3A_297 = tpu.memref_slice %arg4[%add3A_290, %dma_start3A_296] : memref<8192x768xf32, #tpu.memory_space<hbm>> -> memref<32x768xf32, #tpu.memory_space<hbm>>
    %dma_start3A_298 = arith.constant 0 : i32
    %dma_start3A_299 = tpu.memref_slice %arg4[%add3A_290, %dma_start3A_298] : memref<8192x768xf32, #tpu.memory_space<hbm>> -> memref<32x768xf32, #tpu.memory_space<hbm>>
    %dma_start3A_300 = arith.constant 0 : i32
    %dma_start3A_301 = arith.constant 0 : i32
    %dma_start3A_302 = tpu.memref_slice %arg6[%dma_start3A_291, %dma_start3A_300, %dma_start3A_301] : memref<5x32x768xf32, #tpu.memory_space<vmem>> -> memref<1x32x768xf32, #tpu.memory_space<vmem>>
    %dma_start3A_303 = tpu.memref_squeeze %dma_start3A_302 : memref<1x32x768xf32, #tpu.memory_space<vmem>> -> memref<32x768xf32, #tpu.memory_space<vmem>>
    tpu.enqueue_dma source(%dma_start3A_303 : memref<32x768xf32, #tpu.memory_space<vmem>>) target(%dma_start3A_299 : memref<32x768xf32, #tpu.memory_space<hbm>>) target_semaphore(%arg12 : memref<!tpu.dma_semaphore, #tpu.memory_space<semaphore_mem>>)
    %dma_wait3A_304 = arith.constant 1 : i32
    %dma_wait3A_305 = arith.constant 0 : i32
    %dma_wait3A_306 = arith.constant 0 : i32
    %dma_wait3A_307 = tpu.memref_slice %arg6[%dma_wait3A_304, %dma_wait3A_305, %dma_wait3A_306] : memref<5x32x768xf32, #tpu.memory_space<vmem>> -> memref<1x32x768xf32, #tpu.memory_space<vmem>>
    %dma_wait3A_308 = tpu.memref_squeeze %dma_wait3A_307 : memref<1x32x768xf32, #tpu.memory_space<vmem>> -> memref<32x768xf32, #tpu.memory_space<vmem>>
    %dma_wait3A_309 = arith.constant 192 : i32
    %dma_wait3A_310 = tpu.memref_slice %arg5[%dma_wait3A_309] : memref<256xi32, #tpu.memory_space<vmem>> -> memref<32xi32, #tpu.memory_space<vmem>>
    %dma_wait3A_311 = arith.constant 0 : i32
    %dma_wait3A_312 = arith.constant 0 : i32
    %dma_wait3A_313 = tpu.memref_slice %arg2[%dma_wait3A_311, %dma_wait3A_312] : memref<100000x768xf32, #tpu.memory_space<hbm>> -> memref<100000x768xf32, #tpu.memory_space<hbm>>
    tpu.wait_indirect_dma semaphore(%arg8 : memref<!tpu.dma_semaphore, #tpu.memory_space<semaphore_mem>>) src(%dma_wait3A_313 : memref<100000x768xf32, #tpu.memory_space<hbm>>) dst(%dma_wait3A_308 : memref<32x768xf32, #tpu.memory_space<vmem>>)
    %add3A_314 = arith.constant 192 : i32
    %add3A_315 = arith.addi %mul3A_2, %add3A_314 : i32
    %dma_start3A_316 = arith.constant 1 : i32
    %dma_start3A_317 = arith.constant 0 : i32
    %dma_start3A_318 = arith.constant 0 : i32
    %dma_start3A_319 = tpu.memref_slice %arg6[%dma_start3A_316, %dma_start3A_317, %dma_start3A_318] : memref<5x32x768xf32, #tpu.memory_space<vmem>> -> memref<1x32x768xf32, #tpu.memory_space<vmem>>
    %dma_start3A_320 = tpu.memref_squeeze %dma_start3A_319 : memref<1x32x768xf32, #tpu.memory_space<vmem>> -> memref<32x768xf32, #tpu.memory_space<vmem>>
    %dma_start3A_321 = arith.constant 0 : i32
    %dma_start3A_322 = tpu.memref_slice %arg4[%add3A_315, %dma_start3A_321] : memref<8192x768xf32, #tpu.memory_space<hbm>> -> memref<32x768xf32, #tpu.memory_space<hbm>>
    %dma_start3A_323 = arith.constant 0 : i32
    %dma_start3A_324 = tpu.memref_slice %arg4[%add3A_315, %dma_start3A_323] : memref<8192x768xf32, #tpu.memory_space<hbm>> -> memref<32x768xf32, #tpu.memory_space<hbm>>
    %dma_start3A_325 = arith.constant 0 : i32
    %dma_start3A_326 = arith.constant 0 : i32
    %dma_start3A_327 = tpu.memref_slice %arg6[%dma_start3A_316, %dma_start3A_325, %dma_start3A_326] : memref<5x32x768xf32, #tpu.memory_space<vmem>> -> memref<1x32x768xf32, #tpu.memory_space<vmem>>
    %dma_start3A_328 = tpu.memref_squeeze %dma_start3A_327 : memref<1x32x768xf32, #tpu.memory_space<vmem>> -> memref<32x768xf32, #tpu.memory_space<vmem>>
    tpu.enqueue_dma source(%dma_start3A_328 : memref<32x768xf32, #tpu.memory_space<vmem>>) target(%dma_start3A_324 : memref<32x768xf32, #tpu.memory_space<hbm>>) target_semaphore(%arg13 : memref<!tpu.dma_semaphore, #tpu.memory_space<semaphore_mem>>)
    %dma_wait3A_329 = arith.constant 2 : i32
    %dma_wait3A_330 = arith.constant 0 : i32
    %dma_wait3A_331 = arith.constant 0 : i32
    %dma_wait3A_332 = tpu.memref_slice %arg6[%dma_wait3A_329, %dma_wait3A_330, %dma_wait3A_331] : memref<5x32x768xf32, #tpu.memory_space<vmem>> -> memref<1x32x768xf32, #tpu.memory_space<vmem>>
    %dma_wait3A_333 = tpu.memref_squeeze %dma_wait3A_332 : memref<1x32x768xf32, #tpu.memory_space<vmem>> -> memref<32x768xf32, #tpu.memory_space<vmem>>
    %dma_wait3A_334 = arith.constant 224 : i32
    %dma_wait3A_335 = tpu.memref_slice %arg5[%dma_wait3A_334] : memref<256xi32, #tpu.memory_space<vmem>> -> memref<32xi32, #tpu.memory_space<vmem>>
    %dma_wait3A_336 = arith.constant 0 : i32
    %dma_wait3A_337 = arith.constant 0 : i32
    %dma_wait3A_338 = tpu.memref_slice %arg2[%dma_wait3A_336, %dma_wait3A_337] : memref<100000x768xf32, #tpu.memory_space<hbm>> -> memref<100000x768xf32, #tpu.memory_space<hbm>>
    tpu.wait_indirect_dma semaphore(%arg9 : memref<!tpu.dma_semaphore, #tpu.memory_space<semaphore_mem>>) src(%dma_wait3A_338 : memref<100000x768xf32, #tpu.memory_space<hbm>>) dst(%dma_wait3A_333 : memref<32x768xf32, #tpu.memory_space<vmem>>)
    %add3A_339 = arith.constant 224 : i32
    %add3A_340 = arith.addi %mul3A_2, %add3A_339 : i32
    %dma_start3A_341 = arith.constant 2 : i32
    %dma_start3A_342 = arith.constant 0 : i32
    %dma_start3A_343 = arith.constant 0 : i32
    %dma_start3A_344 = tpu.memref_slice %arg6[%dma_start3A_341, %dma_start3A_342, %dma_start3A_343] : memref<5x32x768xf32, #tpu.memory_space<vmem>> -> memref<1x32x768xf32, #tpu.memory_space<vmem>>
    %dma_start3A_345 = tpu.memref_squeeze %dma_start3A_344 : memref<1x32x768xf32, #tpu.memory_space<vmem>> -> memref<32x768xf32, #tpu.memory_space<vmem>>
    %dma_start3A_346 = arith.constant 0 : i32
    %dma_start3A_347 = tpu.memref_slice %arg4[%add3A_340, %dma_start3A_346] : memref<8192x768xf32, #tpu.memory_space<hbm>> -> memref<32x768xf32, #tpu.memory_space<hbm>>
    %dma_start3A_348 = arith.constant 0 : i32
    %dma_start3A_349 = tpu.memref_slice %arg4[%add3A_340, %dma_start3A_348] : memref<8192x768xf32, #tpu.memory_space<hbm>> -> memref<32x768xf32, #tpu.memory_space<hbm>>
    %dma_start3A_350 = arith.constant 0 : i32
    %dma_start3A_351 = arith.constant 0 : i32
    %dma_start3A_352 = tpu.memref_slice %arg6[%dma_start3A_341, %dma_start3A_350, %dma_start3A_351] : memref<5x32x768xf32, #tpu.memory_space<vmem>> -> memref<1x32x768xf32, #tpu.memory_space<vmem>>
    %dma_start3A_353 = tpu.memref_squeeze %dma_start3A_352 : memref<1x32x768xf32, #tpu.memory_space<vmem>> -> memref<32x768xf32, #tpu.memory_space<vmem>>
    tpu.enqueue_dma source(%dma_start3A_353 : memref<32x768xf32, #tpu.memory_space<vmem>>) target(%dma_start3A_349 : memref<32x768xf32, #tpu.memory_space<hbm>>) target_semaphore(%arg14 : memref<!tpu.dma_semaphore, #tpu.memory_space<semaphore_mem>>)
    %dma_wait3A_354 = arith.constant 3 : i32
    %dma_wait3A_355 = arith.constant 0 : i32
    %dma_wait3A_356 = arith.constant 0 : i32
    %dma_wait3A_357 = tpu.memref_slice %arg6[%dma_wait3A_354, %dma_wait3A_355, %dma_wait3A_356] : memref<5x32x768xf32, #tpu.memory_space<vmem>> -> memref<1x32x768xf32, #tpu.memory_space<vmem>>
    %dma_wait3A_358 = tpu.memref_squeeze %dma_wait3A_357 : memref<1x32x768xf32, #tpu.memory_space<vmem>> -> memref<32x768xf32, #tpu.memory_space<vmem>>
    %dma_wait3A_359 = arith.constant 0 : i32
    %dma_wait3A_360 = tpu.memref_slice %arg4[%add3A_240, %dma_wait3A_359] : memref<8192x768xf32, #tpu.memory_space<hbm>> -> memref<32x768xf32, #tpu.memory_space<hbm>>
    %dma_wait3A_361 = arith.constant 0 : i32
    %dma_wait3A_362 = tpu.memref_slice %arg4[%add3A_240, %dma_wait3A_361] : memref<8192x768xf32, #tpu.memory_space<hbm>> -> memref<32x768xf32, #tpu.memory_space<hbm>>
    %dma_wait3A_363 = arith.constant 0 : i32
    %dma_wait3A_364 = arith.constant 0 : i32
    %dma_wait3A_365 = tpu.memref_slice %arg6[%dma_wait3A_354, %dma_wait3A_363, %dma_wait3A_364] : memref<5x32x768xf32, #tpu.memory_space<vmem>> -> memref<1x32x768xf32, #tpu.memory_space<vmem>>
    %dma_wait3A_366 = tpu.memref_squeeze %dma_wait3A_365 : memref<1x32x768xf32, #tpu.memory_space<vmem>> -> memref<32x768xf32, #tpu.memory_space<vmem>>
    tpu.wait_dma2 semaphore(%arg15 : memref<!tpu.dma_semaphore, #tpu.memory_space<semaphore_mem>>) src(%dma_wait3A_366 : memref<32x768xf32, #tpu.memory_space<vmem>>) dst(%dma_wait3A_362 : memref<32x768xf32, #tpu.memory_space<hbm>>)
    %dma_wait3A_367 = arith.constant 4 : i32
    %dma_wait3A_368 = arith.constant 0 : i32
    %dma_wait3A_369 = arith.constant 0 : i32
    %dma_wait3A_370 = tpu.memref_slice %arg6[%dma_wait3A_367, %dma_wait3A_368, %dma_wait3A_369] : memref<5x32x768xf32, #tpu.memory_space<vmem>> -> memref<1x32x768xf32, #tpu.memory_space<vmem>>
    %dma_wait3A_371 = tpu.memref_squeeze %dma_wait3A_370 : memref<1x32x768xf32, #tpu.memory_space<vmem>> -> memref<32x768xf32, #tpu.memory_space<vmem>>
    %dma_wait3A_372 = arith.constant 0 : i32
    %dma_wait3A_373 = tpu.memref_slice %arg4[%add3A_265, %dma_wait3A_372] : memref<8192x768xf32, #tpu.memory_space<hbm>> -> memref<32x768xf32, #tpu.memory_space<hbm>>
    %dma_wait3A_374 = arith.constant 0 : i32
    %dma_wait3A_375 = tpu.memref_slice %arg4[%add3A_265, %dma_wait3A_374] : memref<8192x768xf32, #tpu.memory_space<hbm>> -> memref<32x768xf32, #tpu.memory_space<hbm>>
    %dma_wait3A_376 = arith.constant 0 : i32
    %dma_wait3A_377 = arith.constant 0 : i32
    %dma_wait3A_378 = tpu.memref_slice %arg6[%dma_wait3A_367, %dma_wait3A_376, %dma_wait3A_377] : memref<5x32x768xf32, #tpu.memory_space<vmem>> -> memref<1x32x768xf32, #tpu.memory_space<vmem>>
    %dma_wait3A_379 = tpu.memref_squeeze %dma_wait3A_378 : memref<1x32x768xf32, #tpu.memory_space<vmem>> -> memref<32x768xf32, #tpu.memory_space<vmem>>
    tpu.wait_dma2 semaphore(%arg16 : memref<!tpu.dma_semaphore, #tpu.memory_space<semaphore_mem>>) src(%dma_wait3A_379 : memref<32x768xf32, #tpu.memory_space<vmem>>) dst(%dma_wait3A_375 : memref<32x768xf32, #tpu.memory_space<hbm>>)
    %dma_wait3A_380 = arith.constant 0 : i32
    %dma_wait3A_381 = arith.constant 0 : i32
    %dma_wait3A_382 = arith.constant 0 : i32
    %dma_wait3A_383 = tpu.memref_slice %arg6[%dma_wait3A_380, %dma_wait3A_381, %dma_wait3A_382] : memref<5x32x768xf32, #tpu.memory_space<vmem>> -> memref<1x32x768xf32, #tpu.memory_space<vmem>>
    %dma_wait3A_384 = tpu.memref_squeeze %dma_wait3A_383 : memref<1x32x768xf32, #tpu.memory_space<vmem>> -> memref<32x768xf32, #tpu.memory_space<vmem>>
    %dma_wait3A_385 = arith.constant 0 : i32
    %dma_wait3A_386 = tpu.memref_slice %arg4[%add3A_290, %dma_wait3A_385] : memref<8192x768xf32, #tpu.memory_space<hbm>> -> memref<32x768xf32, #tpu.memory_space<hbm>>
    %dma_wait3A_387 = arith.constant 0 : i32
    %dma_wait3A_388 = tpu.memref_slice %arg4[%add3A_290, %dma_wait3A_387] : memref<8192x768xf32, #tpu.memory_space<hbm>> -> memref<32x768xf32, #tpu.memory_space<hbm>>
    %dma_wait3A_389 = arith.constant 0 : i32
    %dma_wait3A_390 = arith.constant 0 : i32
    %dma_wait3A_391 = tpu.memref_slice %arg6[%dma_wait3A_380, %dma_wait3A_389, %dma_wait3A_390] : memref<5x32x768xf32, #tpu.memory_space<vmem>> -> memref<1x32x768xf32, #tpu.memory_space<vmem>>
    %dma_wait3A_392 = tpu.memref_squeeze %dma_wait3A_391 : memref<1x32x768xf32, #tpu.memory_space<vmem>> -> memref<32x768xf32, #tpu.memory_space<vmem>>
    tpu.wait_dma2 semaphore(%arg12 : memref<!tpu.dma_semaphore, #tpu.memory_space<semaphore_mem>>) src(%dma_wait3A_392 : memref<32x768xf32, #tpu.memory_space<vmem>>) dst(%dma_wait3A_388 : memref<32x768xf32, #tpu.memory_space<hbm>>)
    %dma_wait3A_393 = arith.constant 1 : i32
    %dma_wait3A_394 = arith.constant 0 : i32
    %dma_wait3A_395 = arith.constant 0 : i32
    %dma_wait3A_396 = tpu.memref_slice %arg6[%dma_wait3A_393, %dma_wait3A_394, %dma_wait3A_395] : memref<5x32x768xf32, #tpu.memory_space<vmem>> -> memref<1x32x768xf32, #tpu.memory_space<vmem>>
    %dma_wait3A_397 = tpu.memref_squeeze %dma_wait3A_396 : memref<1x32x768xf32, #tpu.memory_space<vmem>> -> memref<32x768xf32, #tpu.memory_space<vmem>>
    %dma_wait3A_398 = arith.constant 0 : i32
    %dma_wait3A_399 = tpu.memref_slice %arg4[%add3A_315, %dma_wait3A_398] : memref<8192x768xf32, #tpu.memory_space<hbm>> -> memref<32x768xf32, #tpu.memory_space<hbm>>
    %dma_wait3A_400 = arith.constant 0 : i32
    %dma_wait3A_401 = tpu.memref_slice %arg4[%add3A_315, %dma_wait3A_400] : memref<8192x768xf32, #tpu.memory_space<hbm>> -> memref<32x768xf32, #tpu.memory_space<hbm>>
    %dma_wait3A_402 = arith.constant 0 : i32
    %dma_wait3A_403 = arith.constant 0 : i32
    %dma_wait3A_404 = tpu.memref_slice %arg6[%dma_wait3A_393, %dma_wait3A_402, %dma_wait3A_403] : memref<5x32x768xf32, #tpu.memory_space<vmem>> -> memref<1x32x768xf32, #tpu.memory_space<vmem>>
    %dma_wait3A_405 = tpu.memref_squeeze %dma_wait3A_404 : memref<1x32x768xf32, #tpu.memory_space<vmem>> -> memref<32x768xf32, #tpu.memory_space<vmem>>
    tpu.wait_dma2 semaphore(%arg13 : memref<!tpu.dma_semaphore, #tpu.memory_space<semaphore_mem>>) src(%dma_wait3A_405 : memref<32x768xf32, #tpu.memory_space<vmem>>) dst(%dma_wait3A_401 : memref<32x768xf32, #tpu.memory_space<hbm>>)
    %dma_wait3A_406 = arith.constant 2 : i32
    %dma_wait3A_407 = arith.constant 0 : i32
    %dma_wait3A_408 = arith.constant 0 : i32
    %dma_wait3A_409 = tpu.memref_slice %arg6[%dma_wait3A_406, %dma_wait3A_407, %dma_wait3A_408] : memref<5x32x768xf32, #tpu.memory_space<vmem>> -> memref<1x32x768xf32, #tpu.memory_space<vmem>>
    %dma_wait3A_410 = tpu.memref_squeeze %dma_wait3A_409 : memref<1x32x768xf32, #tpu.memory_space<vmem>> -> memref<32x768xf32, #tpu.memory_space<vmem>>
    %dma_wait3A_411 = arith.constant 0 : i32
    %dma_wait3A_412 = tpu.memref_slice %arg4[%add3A_340, %dma_wait3A_411] : memref<8192x768xf32, #tpu.memory_space<hbm>> -> memref<32x768xf32, #tpu.memory_space<hbm>>
    %dma_wait3A_413 = arith.constant 0 : i32
    %dma_wait3A_414 = tpu.memref_slice %arg4[%add3A_340, %dma_wait3A_413] : memref<8192x768xf32, #tpu.memory_space<hbm>> -> memref<32x768xf32, #tpu.memory_space<hbm>>
    %dma_wait3A_415 = arith.constant 0 : i32
    %dma_wait3A_416 = arith.constant 0 : i32
    %dma_wait3A_417 = tpu.memref_slice %arg6[%dma_wait3A_406, %dma_wait3A_415, %dma_wait3A_416] : memref<5x32x768xf32, #tpu.memory_space<vmem>> -> memref<1x32x768xf32, #tpu.memory_space<vmem>>
    %dma_wait3A_418 = tpu.memref_squeeze %dma_wait3A_417 : memref<1x32x768xf32, #tpu.memory_space<vmem>> -> memref<32x768xf32, #tpu.memory_space<vmem>>
    tpu.wait_dma2 semaphore(%arg14 : memref<!tpu.dma_semaphore, #tpu.memory_space<semaphore_mem>>) src(%dma_wait3A_418 : memref<32x768xf32, #tpu.memory_space<vmem>>) dst(%dma_wait3A_414 : memref<32x768xf32, #tpu.memory_space<hbm>>)
    return
  }
}

</mosaic_0001>

<sc_bundles>
// kernel: kernel.3.cloned.1.call-start
scs
__scs_entry_jumppad:
0x0: {  	(pc) =	sbr.rel $0x88, $3  }
0x1: {  	(tag) =	ssettag $0x0;
	lr =	simm.s32 $0x1  }
0x2: {  	[smem:$0x3F9F] =	sst lr;
	_ =	strace $0xD0000000  }
0x3: {  	_ = 	snop  }
0x4: {  	_ = 	snop  }
0x5: {  	_ = 	snop  }
0x6: {  	_ = 	snop  }
0x7: {  	_ = 	snop  }
__scs_overlays_trampoline_lowered:
0x8: {  	[smem:$0x3FAE] =	sst s0  }
0x9: {  	[smem:$0x3FAF] =	sst s1  }
0xa: {  	[smem:$0x3FB0] =	sst s2  }
0xb: {  	[smem:$0x3FB1] =	sst s3  }
0xc: {  	[smem:$0x3FB2] =	sst s4  }
0xd: {  	[smem:$0x3FB3] =	sst s5  }
0xe: {  	[smem:$0x3FB4] =	sst s6  }
0xf: {  	[smem:$0x3FB5] =	sst s7  }
0x10: {  	[smem:$0x3FB6] =	sst s8  }
0x11: {  	[smem:$0x3FB7] =	sst s9;
	s0 =	simm.s32 @!p0 $0x0  }
0x12: {  	s1 =	sld [smem:$0x3F9D];
	s0 =	simm.s32 @p0 $0x1  }
0x13: {  	[smem:$0x3FB8] =	sst s0;
	s0 =	simm.s32 @!p1 $0x0  }
0x14: {  	s2 =	sld [smem:$0x3F9C];
	s0 =	simm.s32 @p1 $0x1  }
0x15: {  	[smem:$0x3FB9] =	sst s0;
	s0 =	simm.s32 @!p2 $0x0  }
0x16: {  	s3 =	sld [smem:$0x3FDB];
	s0 =	simm.s32 @p2 $0x1  }
0x17: {  	s4 =	simm.s32 $0x1BF5;
	[smem:$0x3FBB] =	sst s0  }
0x18: {  	s0 =	sld [smem:$0x3F9E];
	_ =	swait.ge [sflag:s4], $0x0  }
0x19: {  	s7 =	sld [smem:$0x3F9F]  }
0x1a: {  	s8 =	sadd.s32 $0xFFFFE003, lr  }
0x1b: {  	s9 =	sadd.s32 $0xFFFFFEF7, lr;
	s5 =	simm.s32 $0xFFFFFFFF;
	p2 =	slt.u32 s8, $0xFFFFF086  }
0x1c: {  	p1 =	slt.u32 s9, $0xF7A;
	s5 =	simm.s32 @!p2 $0x0  }
0x1d: {  	s5 =	simm.s32 @p1 $0x1;
	p0 =	seq.s32 s7, s2  }
0x1e: {  	s7 =	smul.u32 @!p0 $0xF7A, s2;
	p2 =	seq.s32 @!p0 s5, $0x0  }
0x1f: {  	s9 =	smul.u32 $0xF7A, s1;
	s8 =	simm.s32 @!p0 $0x1BF5;
	p2 =	por !p2, p0  }
0x20: {  	[sflag:s8] =	ssyncset.s32 @!p0 $0xFFFFF086;
	s6 =	sadd.s32 @!p0 s3, s7;
	s7 =	simm.s32 @!p0 $0x108  }
0x21: {  	s3 =	sadd.s32 s3, s9;
	s6 =	sadd.s32 @!p0 $0x88, s6;
	s7 =	simm.s32 @p2 $0x1082  }
0x22: {  	[simem:s7], [sflag:s8] =	dma.local @!p0 [hbm:s6], $0xF7A  }
0x23: {  	s9 =	sor.u32 $0xD0000000, s2;
	s6 =	simm.s32 $0x108;
	_ =	swait.ge @!p0 [sflag:s8], $0x0  }
0x24: {  	s3 =	sadd.s32 $0x88, s3;
	s6 =	simm.s32 @!p1 $0x1082;
	[sflag:s4] =	ssyncset.s32 $0xFFFFF086  }
0x25: {  	[simem:s6], [sflag:s4] =	dma.local [hbm:s3], $0xF7A  }
0x26: {  	[smem:$0x3F9F] =	sst s1;
	(tag) =	ssettag s2;
	_ =	strace s9  }
0x27: {  	s1 =	sld [smem:$0x3FAF]  }
0x28: {  	s2 =	sld [smem:$0x3FB0]  }
0x29: {  	s4 =	sld [smem:$0x3FB2]  }
0x2a: {  	p0 =	seq.s32 s5, $0x0;
	s5 =	sld [smem:$0x3FB3]  }
0x2b: {  	s6 =	sld [smem:$0x3FB4]  }
0x2c: {  	s7 =	sld [smem:$0x3FB5]  }
0x2d: {  	s3 =	simm.s32 $0x108;
	s8 =	sld [smem:$0x3FB6]  }
0x2e: {  	s3 =	simm.s32 @!p0 $0x1082;
	s9 =	sld [smem:$0x3FB7]  }
0x2f: {  	lr =	sadd.s32 s0, s3;
	s0 =	sld [smem:$0x3FAE]  }
0x30: {  	s3 =	sld [smem:$0x3FB1]  }
0x31: {  	[smem:$0x3FBA] =	sst s10  }
0x32: {  	s10 =	sld [smem:$0x3FB8];
	_ =	sdelay $0x3  }
0x33: {  	p0 =	seq.s32 s10, $0x1;
	s10 =	sld [smem:$0x3FBA];
	_ =	sdelay $0x3  }
0x34: {  	[smem:$0x3FBA] =	sst s10  }
0x35: {  	s10 =	sld [smem:$0x3FB9];
	_ =	sdelay $0x3  }
0x36: {  	p1 =	seq.s32 s10, $0x1;
	s10 =	sld [smem:$0x3FBA];
	_ =	sdelay $0x3  }
0x37: {  	[smem:$0x3FBA] =	sst s10  }
0x38: {  	s10 =	sld [smem:$0x3FBB]  }
0x39: {  	_ = 	snop;
	(pc) =	sbr.ind lr, $3  }
0x3a: {  	_ = 	snop  }
0x3b: {  	_ = 	snop  }
0x3c: {  	p2 =	seq.s32 s10, $0x1;
	s10 =	sld [smem:$0x3FBA]  }
0x3d: {  	_ =	shalt  }
0x3e: {  	_ =	shalt  }
0x3f: {  	_ =	shalt  }
0x40: {  	_ =	shalt  }
0x41: {  	_ =	shalt  }
0x42: {  	_ =	shalt  }
0x43: {  	_ =	shalt  }
0x44: {  	_ =	shalt  }
0x45: {  	_ =	shalt  }
0x46: {  	_ =	shalt  }
0x47: {  	_ =	shalt  }
0x48: {  	_ =	shalt  }
0x49: {  	_ =	shalt  }
0x4a: {  	_ =	shalt  }
0x4b: {  	_ =	shalt  }
0x4c: {  	_ =	shalt  }
0x4d: {  	_ =	shalt  }
0x4e: {  	_ =	shalt  }
0x4f: {  	_ =	shalt  }
0x50: {  	_ =	shalt  }
0x51: {  	_ =	shalt  }
0x52: {  	_ =	shalt  }
0x53: {  	_ =	shalt  }
0x54: {  	_ =	shalt  }
0x55: {  	_ =	shalt  }
0x56: {  	_ =	shalt  }
0x57: {  	_ =	shalt  }
0x58: {  	_ =	shalt  }
0x59: {  	_ =	shalt  }
0x5a: {  	_ =	shalt  }
0x5b: {  	_ =	shalt  }
0x5c: {  	_ =	shalt  }
0x5d: {  	_ =	shalt  }
0x5e: {  	_ =	shalt  }
0x5f: {  	_ =	shalt  }
0x60: {  	_ =	shalt  }
0x61: {  	_ =	shalt  }
0x62: {  	_ =	shalt  }
0x63: {  	_ =	shalt  }
0x64: {  	_ =	shalt  }
0x65: {  	_ =	shalt  }
0x66: {  	_ =	shalt  }
0x67: {  	_ =	shalt  }
0x68: {  	_ =	shalt  }
0x69: {  	_ =	shalt  }
0x6a: {  	_ =	shalt  }
0x6b: {  	_ =	shalt  }
0x6c: {  	_ =	shalt  }
0x6d: {  	_ =	shalt  }
0x6e: {  	_ =	shalt  }
0x6f: {  	_ =	shalt  }
0x70: {  	_ =	shalt  }
0x71: {  	_ =	shalt  }
0x72: {  	_ =	shalt  }
0x73: {  	_ =	shalt  }
0x74: {  	_ =	shalt  }
0x75: {  	_ =	shalt  }
0x76: {  	_ =	shalt  }
0x77: {  	_ =	shalt  }
0x78: {  	_ =	shalt  }
0x79: {  	_ =	shalt  }
0x7a: {  	_ =	shalt  }
0x7b: {  	_ =	shalt  }
0x7c: {  	_ =	shalt  }
0x7d: {  	_ =	shalt  }
0x7e: {  	_ =	shalt  }
0x7f: {  	_ =	shalt  }
0x80: {  	_ =	shalt  }
0x81: {  	_ =	shalt  }
0x82: {  	_ =	shalt  }
0x83: {  	_ =	shalt  }
0x84: {  	_ =	shalt  }
0x85: {  	_ =	shalt  }
0x86: {  	_ =	shalt  }
0x87: {  	_ =	shalt  }
.Lfunc_end0:
.L_simem_size_0:
called_computation_lowered:
.L_overlay_start_0:
0x88: {  	s2 =	sld [smem:$0x3FD9]  }
0x89: {  	s3 =	sld [smem:$0x3FFE];
	_ =	sdelay $0x1  }
0x8a: {  	s1 =	srdreg.scid  }
0x8b: {  	s0 =	sand.u32 $0x1, s1  }
0x8c: {  	s18 =	sshll.u32 s0, $0xA;
	s2 =	sadd.s32 s3, s2  }
0x8d: {  	s2 =	sadd.s32 s2, s18  }
0x8e: {  	[smem:$0x3FC6] =	sst s2  }
0x8f: {  	_ = 	snop  }
0x90: {  	s2 =	sld [smem:$0x3FC9]  }
0x91: {  	s19 =	sld [smem:$0x3FC8]  }
0x92: {  	s4 =	sld [smem:$0x3FD0];
	(tm) =	ssettm $0x1  }
0x93: {  	s5 =	sld [smem:$0x3FFB];
	_ =	sdelay $0x3  }
0x94: {  	_ =	strace s5  }
0x95: {  	s5 =	sld [smem:$0x3FFC];
	_ =	sdelay $0x3  }
0x96: {  	_ =	strace s5  }
0x97: {  	s5 =	sld [smem:$0x3FFD];
	_ =	sdelay $0x3  }
0x98: {  	_ =	strace s5  }
0x99: {  	_ =	strace $0x8FFFFFFF  }
0x9a: {  	s20 =	sld [smem:$0x3FDB];
	_ =	sdelay $0x1  }
0x9b: {  	s6 =	simm.s32 $_scs_section_size  }
0x9c: {  	s7 =	simm.s32 $_size__tile_overlayer_lowered;
	s8 =	simm.s32 $_tile_overlayer_lowered  }
0x9d: {  	s23 =	simm.s32 $0x1BFF;
	s22 =	sshll.u32 s8, $0x1;
	s5 =	sadd.s32 s6, s20  }
0x9e: {  	s9 =	simm.s32 $0x0;
	s21 =	sshll.u32 s7, $0x1;
	s7 =	sadd.s32 s22, s5  }
0x9f: {  	[timem:s9], [sflag:s23] =	dma.local [hbm:s7], s21  }
0xa0: {  	_ =	swait.ge [sflag:s23], s21  }
0xa1: {  	s6 =	ssub.s32 $0x0, s21;
	[sflag:s23] =	ssyncset.done $0x0  }
0xa2: {  	[sflag:s23] =	ssyncadd.s32 s6;
	_ =	sdelay $0x1  }
0xa3: {  	s24 =	simm.s32 $0x1B8B  }
0xa4: {  	_ =	swait.ge [sflag:s24], $0x1  }
0xa5: {  	[sflag:s24] =	ssyncset.done $0x0  }
0xa6: {  	s25 =	simm.s32 $0x1B8E;
	[sflag:s24] =	ssyncadd.s32 $0xFFFFFFFF  }
0xa7: {  	s26 =	simm.s32 $execute0_lowered;
	[smem:$0x3FD2] =	sst s25  }
0xa8: {  	s6 =	sshll.u32 s26, $0x1;
	_ =	strace $0x80000046;
	[dreg:$0x1] =	wrdreg $0xFFFFFFFF  }
0xa9: {  	s28 =	simm.s32 $_size_execute0_lowered;
	s5 =	sadd.s32 s5, s6;
	[dreg:$0x0] =	wrdreg $0x0  }
0xaa: {  	s6 =	sshll.u32 s28, $0x1;
	[dreg:$0x2] =	wrdreg s5  }
0xab: {  	[dreg:$0x3] =	wrdreg s6  }
0xac: {  	[dreg:$0x4] =	wrdreg $0xC0  }
0xad: {  	_ =	task [dreg:s9], $0x5FFFF  }
0xae: {  	[dreg:$0x1] =	wrdreg $0xFFFFFFFF  }
0xaf: {  	[dreg:$0x0] =	wrdreg $0x60  }
0xb0: {  	[dreg:$0x2] =	wrdreg s19  }
0xb1: {  	[dreg:$0x3] =	wrdreg s2  }
0xb2: {  	[dreg:$0x4] =	wrdreg s4  }
0xb3: {  	[dreg:$0x5] =	wrdreg $0x9  }
0xb4: {  	_ =	task.clear_ibuf [dreg:s9], $0x6FFFF;
	_ =	strace $0x90000046  }
0xb5: {  	s29 =	simm.s32 $0x9;
	_ =	strace $0x80000048  }
0xb6: {  	_ =	swait.ge [sflag:s29], $0x1  }
0xb7: {  	[sflag:s29] =	ssyncadd.s32 $0xFFFFFFFF  }
0xb8: {  	_ =	strace $0x90000048  }
0xb9: {  	_ =	sfence  }
0xba: {  	s30 =	sld [smem:$0x0];
	_ =	sdelay $0x2  }
0xbb: {  	s31 =	sshll.u32 s1, $0xD;
	s1 =	sshrl.u32 s1, $0x2  }
0xbc: {  	s3 =	sand.u32 $0x4000, s31;
	s1 =	sadd.s32 s1, s30  }
0xbd: {  	s0 =	sor.u32 s3, s0;
	s1 =	sshll.u32 s1, $0x11  }
0xbe: {  	s0 =	sor.u32 s1, s0  }
0xbf: {  	s0 =	sadd.s32 $0x8F2B, s0  }
0xc0: {  	[sflag:s0] =	ssyncadd.remote.s32 $0x1  }
0xc1: {  	_ =	sfence.sel $0xFFFF  }
0xc2: {  	[dreg:$0x0] =	wrdreg $0xFFFFFFFF;
	(pc) =	sbr.abs _section_cstart, $3  }
0xc3: {  	[dreg:$0x1] =	wrdreg $0xFFFFFFFF  }
0xc4: {  	_ =	task.clear_ibuf [dreg:s9], $0x2FFFF;
	_ =	strace $0x9FFFFFFF  }
0xc5: {  	(tm) =	ssettm $0x7FFFFFFF  }
tec
execute0_lowered:
.L_overlay_start_1:
0x0: {  	(tag) =	ssettag $0x1  }
0x1: {  	s0 =	srdreg.scid;
	s6 =	stileid.u32  }
0x2: {  	s1 =	rddreg [dreg:$0x0];
	s0 =	sand.u32 $0x1, s0;
	s2 =	sshll.u32 s6, $0x1  }
0x3: {  	s4 =	rddreg [dreg:$0x1];
	s2 =	sor.u32 s0, s2  }
0x4: {  	s6 =	sshll.u32 s6, $0x2;
	s3 =	sshll.u32 s2, $0x7;
	s7 =	smul.u32 $0x6000, s2  }
0x5: {  	s5 =	rddreg [dreg:$0x2];
	s6 =	sor.u32 s6, s3;
	s3 =	simm.s32 $0x0  }
0x6: {  	[smem:$0x7FF] =	sst s3;
	s19 =	sadd.s32 s5, s7  }
0x7: {  	s26 =	simm.s32 $0x12900;
	_ =	strace $0x80000047;
	[smem:$0x7FA] =	sst s19  }
0x8: {  	s8 =	simm.s32 $0x14900;
	[dreg:$0xc] =	wrdreg s26  }
0x9: {  	s9 =	simm.s32 $0x15100;
	[dreg:$0x10] =	wrdreg s8  }
0xa: {  	s10 =	simm.s32 $0x15900;
	[dreg:$0x11] =	wrdreg s9  }
0xb: {  	s11 =	simm.s32 $0x16100;
	[dreg:$0x12] =	wrdreg s10  }
0xc: {  	s12 =	simm.s32 $0x16900;
	[dreg:$0x13] =	wrdreg s11  }
0xd: {  	s13 =	simm.s32 $0x17100;
	[dreg:$0x14] =	wrdreg s12  }
0xe: {  	s14 =	simm.s32 $0x17900;
	s15 =	simm.s32 $0x80;
	[dreg:$0x15] =	wrdreg s13  }
0xf: {  	s16 =	simm.s32 $0x18900;
	s17 =	simm.s32 $0x19100;
	[dreg:$0x16] =	wrdreg s14  }
0x10: {  	s18 =	simm.s32 $0x19900;
	s28 =	simm.s32 $0x2;
	[dreg:$0x17] =	wrdreg s15  }
0x11: {  	s29 =	simm.s32 $0x7;
	s30 =	simm.s32 $0x3;
	[dreg:$0x18] =	wrdreg s16  }
0x12: {  	s31 =	simm.s32 $0x8;
	s6 =	sand.u32 $0x3B0, s6;
	[dreg:$0x19] =	wrdreg s17  }
0x13: {  	s2 =	smul.u32 $0x30000, s2;
	s4 =	sadd.s32 s4, s6;
	[dreg:$0x1a] =	wrdreg s18  }
0x14: {  	s0 =	ssub.s32 $0x2, s0;
	s20 =	sadd.s32 $0xC00, s19;
	[smem:$0x7F9] =	sst s4  }
0x15: {  	s2 =	sshrl.u32 s2, $0x3;
	s21 =	sadd.s32 $0x1800, s19;
	[dreg:$0x5] =	wrdreg s20  }
0x16: {  	s2 =	sadd.s32 s5, s2;
	s5 =	simm.s32 $0x13900;
	[dreg:$0x6] =	wrdreg s21  }
0x17: {  	s7 =	sshrl.u32 s0, $0x1;
	s6 =	simm.s32 $0x14100;
	[dreg:$0xe] =	wrdreg s5  }
0x18: {  	s0 =	ssub.s32 s0, s7;
	s19 =	simm.s32 $0x1A100;
	[dreg:$0xf] =	wrdreg s6  }
0x19: {  	s7 =	sadd.s32 $0x200, s1;
	s26 =	simm.s32 $0x1D900;
	[dreg:$0x1b] =	wrdreg s19  }
0x1a: {  	s15 =	simm.s32 $0x900;
	s4 =	sadd.s32 $0x40, s4;
	[smem:$0x7FD] =	sst s26  }
0x1b: {  	s16 =	simm.s32 $0x1100;
	s22 =	sadd.s32 $0x2400, s2;
	[dreg:$0x4] =	wrdreg s4  }
0x1c: {  	s17 =	simm.s32 $0x1900;
	s23 =	sadd.s32 $0x3000, s2;
	[dreg:$0x7] =	wrdreg s22  }
0x1d: {  	s18 =	simm.s32 $0x2100;
	s24 =	sadd.s32 $0x3C00, s2;
	[dreg:$0x8] =	wrdreg s23  }
0x1e: {  	s9 =	simm.s32 $0x5100;
	s25 =	sadd.s32 $0x4800, s2;
	[dreg:$0x9] =	wrdreg s24  }
0x1f: {  	s11 =	simm.s32 $0x7100;
	s2 =	sadd.s32 $0x5400, s2;
	[dreg:$0xa] =	wrdreg s25  }
0x20: {  	s10 =	simm.s32 $0x7900;
	s20 =	simm.s32 $0x1A900;
	[dreg:$0xb] =	wrdreg s2  }
0x21: {  	s6 =	sadd.s32 $0x100, s1;
	s21 =	simm.s32 $0x1B100;
	[dreg:$0x1c] =	wrdreg s20  }
0x22: {  	s8 =	smax.u32 s0, $0x1;
	s4 =	simm.s32 $0x13100;
	[dreg:$0x1d] =	wrdreg s21  }
0x23: {  	s26 =	simm.s32 $0x6;
	s22 =	simm.s32 $0x1B900;
	[dreg:$0xd] =	wrdreg s4  }
0x24: {  	s19 =	simm.s32 $0x2900;
	s23 =	simm.s32 $0x1C100;
	[dreg:$0x1e] =	wrdreg s22  }
0x25: {  	s5 =	simm.s32 $0x6100;
	s24 =	simm.s32 $0x1C900;
	[dreg:$0x1f] =	wrdreg s23  }
0x26: {  	v2 =	vlaneseq.u32;
	s25 =	simm.s32 $0x1D100;
	s20 =	simm.s32 $0x3100;
	[smem:$0x7FB] =	sst s24  }
0x27: {  	vm0 =	vmmov $0xffff;
	v1 =	vshrl.u32 v2, $0x3;
	s21 =	simm.s32 $0x3900;
	[smem:$0x7FC] =	sst s25;
	s25 =	simm.s32 $0x1  }
0x28: {  	v0 =	vand.u32 $0x7, v2;
	v2 =	vor.u32 $0x8, v2;
	v1 =	vmul.u32 $0x8, v1;
	s22 =	simm.s32 $0x100;
	s23 =	simm.s32 $0x4100;
	s24 =	simm.s32 $0x4900  }
.LBB2_1:
0x29: {  	s12 =	sld [smem:$0x7F9];
	_ =	sdelay $0x1  }
0x2a: {  	s0 =	simm.s32 $0xB  }
0x2b: {  	[tilespmem:s3], [sflag:$0xB] =	stream.linear.gather [hbm4b:s12+s3], $0x80, $0x38;
	[tilespmem:$0x1E100] =	vst v63  }
0x2c: {  	_ =	swait.ge [sflag:s0], $0x80  }
0x2d: {  	[sflag:s0] =	ssyncset.done $0x0  }
0x2e: {  	[sflag:s0] =	ssyncadd.s32 $0xFFFFFF80  }
0x2f: {  	v3 =	vld [tilespmem:$0x0];
	_ =	sdelay $0x4  }
0x30: {  	v4 =	vshrl.u32 v3, $0x3  }
0x31: {  	v4 =	vmul.u32 $0x30, v4  }
0x32: {  	v3 =	vand.u32 $0x7, v3  }
0x33: {  	v3 =	vor.u32 v3, v4  }
0x34: {  	v4 =	vperm.xlane v3, v0;
	_ =	sdelay $0x1  }
0x35: {  	v4 =	vadd.s32 v1, v4;
	_ =	sdelay $0x3  }
0x36: {  	v3 =	vperm.xlane v3, v2  }
0x37: {  	[tilespmem:s22], [sflag:$0x1] =	stream.indirect_vreg.gather [hbm4b:s1+s3], $0x80, v4, vm0, $0xb8;
	[tilespmem:$0x1E100] =	vst v63  }
0x38: {  	v3 =	vadd.s32 v1, v3  }
0x39: {  	[tilespmem:s15], [sflag:$0x1] =	stream.indirect_vreg.gather [hbm4b:s6+s3], $0x80, v4, vm0, $0xb8;
	[tilespmem:$0x1E100] =	vst v63  }
0x3a: {  	_ = 	snop  }
0x3b: {  	[tilespmem:s16], [sflag:$0x1] =	stream.indirect_vreg.gather [hbm4b:s7+s3], $0x80, v4, vm0, $0xb8;
	[tilespmem:$0x1E100] =	vst v63  }
0x3c: {  	_ = 	snop  }
0x3d: {  	[tilespmem:s17], [sflag:$0x1] =	stream.indirect_vreg.gather [hbm4b:s1+s3], $0x80, v3, vm0, $0xb8;
	[tilespmem:$0x1E100] =	vst v63  }
0x3e: {  	_ = 	snop  }
0x3f: {  	[tilespmem:s18], [sflag:$0x1] =	stream.indirect_vreg.gather [hbm4b:s6+s3], $0x80, v3, vm0, $0xb8;
	[tilespmem:$0x1E100] =	vst v63  }
0x40: {  	_ = 	snop  }
0x41: {  	[tilespmem:s19], [sflag:$0x1] =	stream.indirect_vreg.gather [hbm4b:s7+s3], $0x80, v3, vm0, $0xb8;
	[tilespmem:$0x1E100] =	vst v63  }
0x42: {  	v3 =	vld [tilespmem:$0x10];
	_ =	sdelay $0x4  }
0x43: {  	v49 =	vshrl.u32 v3, $0x3  }
0x44: {  	v4 =	vmul.u32 $0x30, v49  }
0x45: {  	v3 =	vand.u32 $0x7, v3  }
0x46: {  	v3 =	vor.u32 v3, v4  }
0x47: {  	v4 =	vperm.xlane v3, v0;
	_ =	sdelay $0x1  }
0x48: {  	v4 =	vadd.s32 v1, v4;
	_ =	sdelay $0x3  }
0x49: {  	v3 =	vperm.xlane v3, v2  }
0x4a: {  	[tilespmem:s20], [sflag:$0x1] =	stream.indirect_vreg.gather [hbm4b:s1+s3], $0x80, v4, vm0, $0xb8;
	[tilespmem:$0x1E100] =	vst v63  }
0x4b: {  	v3 =	vadd.s32 v1, v3  }
0x4c: {  	[tilespmem:s21], [sflag:$0x1] =	stream.indirect_vreg.gather [hbm4b:s6+s3], $0x80, v4, vm0, $0xb8;
	[tilespmem:$0x1E100] =	vst v63  }
0x4d: {  	_ = 	snop  }
0x4e: {  	[tilespmem:s23], [sflag:$0x1] =	stream.indirect_vreg.gather [hbm4b:s7+s3], $0x80, v4, vm0, $0xb8;
	[tilespmem:$0x1E100] =	vst v63  }
0x4f: {  	_ = 	snop  }
0x50: {  	[tilespmem:s24], [sflag:$0x1] =	stream.indirect_vreg.gather [hbm4b:s1+s3], $0x80, v3, vm0, $0xb8;
	[tilespmem:$0x1E100] =	vst v63  }
0x51: {  	_ = 	snop  }
0x52: {  	[tilespmem:s9], [sflag:$0x1] =	stream.indirect_vreg.gather [hbm4b:s6+s3], $0x80, v3, vm0, $0xb8;
	[tilespmem:$0x1E100] =	vst v63  }
0x53: {  	s4 =	simm.s32 $0x5900  }
0x54: {  	[tilespmem:s4], [sflag:$0x1] =	stream.indirect_vreg.gather [hbm4b:s7+s3], $0x80, v3, vm0, $0xb8;
	[tilespmem:$0x1E100] =	vst v63  }
0x55: {  	v3 =	vld [tilespmem:$0x20];
	_ =	sdelay $0x4  }
0x56: {  	v50 =	vshrl.u32 v3, $0x3  }
0x57: {  	v4 =	vmul.u32 $0x30, v50  }
0x58: {  	v3 =	vand.u32 $0x7, v3  }
0x59: {  	v3 =	vor.u32 v3, v4  }
0x5a: {  	v4 =	vperm.xlane v3, v0;
	_ =	sdelay $0x1  }
0x5b: {  	v4 =	vadd.s32 v1, v4;
	_ =	sdelay $0x3  }
0x5c: {  	v3 =	vperm.xlane v3, v2  }
0x5d: {  	[tilespmem:s5], [sflag:$0x2] =	stream.indirect_vreg.gather [hbm4b:s1+s3], $0x80, v4, vm0, $0xb8;
	[tilespmem:$0x1E100] =	vst v63  }
0x5e: {  	s2 =	simm.s32 $0x6900;
	v3 =	vadd.s32 v1, v3  }
0x5f: {  	[tilespmem:s2], [sflag:$0x2] =	stream.indirect_vreg.gather [hbm4b:s6+s3], $0x80, v4, vm0, $0xb8;
	[tilespmem:$0x1E100] =	vst v63  }
0x60: {  	_ = 	snop  }
0x61: {  	[tilespmem:s11], [sflag:$0x2] =	stream.indirect_vreg.gather [hbm4b:s7+s3], $0x80, v4, vm0, $0xb8;
	[tilespmem:$0x1E100] =	vst v63  }
0x62: {  	_ = 	snop  }
0x63: {  	[tilespmem:s10], [sflag:$0x2] =	stream.indirect_vreg.gather [hbm4b:s1+s3], $0x80, v3, vm0, $0xb8;
	[tilespmem:$0x1E100] =	vst v63  }
0x64: {  	s14 =	simm.s32 $0x8100  }
0x65: {  	[tilespmem:s14], [sflag:$0x2] =	stream.indirect_vreg.gather [hbm4b:s6+s3], $0x80, v3, vm0, $0xb8;
	[tilespmem:$0x1E100] =	vst v63  }
0x66: {  	s12 =	simm.s32 $0x8900  }
0x67: {  	[tilespmem:s12], [sflag:$0x2] =	stream.indirect_vreg.gather [hbm4b:s7+s3], $0x80, v3, vm0, $0xb8;
	[tilespmem:$0x1E100] =	vst v63  }
0x68: {  	v3 =	vld [tilespmem:$0x30];
	_ =	sdelay $0x4  }
0x69: {  	v51 =	vshrl.u32 v3, $0x3  }
0x6a: {  	v4 =	vmul.u32 $0x30, v51  }
0x6b: {  	v3 =	vand.u32 $0x7, v3  }
0x6c: {  	v3 =	vor.u32 v3, v4  }
0x6d: {  	v4 =	vperm.xlane v3, v0;
	_ =	sdelay $0x1  }
0x6e: {  	v4 =	vadd.s32 v1, v4;
	_ =	sdelay $0x3  }
0x6f: {  	s13 =	simm.s32 $0x9100;
	v3 =	vperm.xlane v3, v2  }
0x70: {  	[tilespmem:s13], [sflag:$0x2] =	stream.indirect_vreg.gather [hbm4b:s1+s3], $0x80, v4, vm0, $0xb8;
	[tilespmem:$0x1E100] =	vst v63  }
0x71: {  	s14 =	simm.s32 $0x9900;
	v3 =	vadd.s32 v1, v3  }
0x72: {  	[tilespmem:s14], [sflag:$0x2] =	stream.indirect_vreg.gather [hbm4b:s6+s3], $0x80, v4, vm0, $0xb8;
	[tilespmem:$0x1E100] =	vst v63  }
0x73: {  	s12 =	simm.s32 $0xA100  }
0x74: {  	[tilespmem:s12], [sflag:$0x2] =	stream.indirect_vreg.gather [hbm4b:s7+s3], $0x80, v4, vm0, $0xb8;
	[tilespmem:$0x1E100] =	vst v63  }
0x75: {  	s13 =	simm.s32 $0xA900  }
0x76: {  	[tilespmem:s13], [sflag:$0x2] =	stream.indirect_vreg.gather [hbm4b:s1+s3], $0x80, v3, vm0, $0xb8;
	[tilespmem:$0x1E100] =	vst v63  }
0x77: {  	s14 =	simm.s32 $0xB100  }
0x78: {  	[tilespmem:s14], [sflag:$0x2] =	stream.indirect_vreg.gather [hbm4b:s6+s3], $0x80, v3, vm0, $0xb8;
	[tilespmem:$0x1E100] =	vst v63  }
0x79: {  	s12 =	simm.s32 $0xB900  }
0x7a: {  	[tilespmem:s12], [sflag:$0x2] =	stream.indirect_vreg.gather [hbm4b:s7+s3], $0x80, v3, vm0, $0xb8;
	[tilespmem:$0x1E100] =	vst v63  }
0x7b: {  	v3 =	vld [tilespmem:$0x40];
	_ =	sdelay $0x4  }
0x7c: {  	v52 =	vshrl.u32 v3, $0x3  }
0x7d: {  	v4 =	vmul.u32 $0x30, v52  }
0x7e: {  	v3 =	vand.u32 $0x7, v3  }
0x7f: {  	v3 =	vor.u32 v3, v4  }
0x80: {  	v4 =	vperm.xlane v3, v0;
	_ =	sdelay $0x1  }
0x81: {  	v4 =	vadd.s32 v1, v4;
	_ =	sdelay $0x3  }
0x82: {  	s2 =	simm.s32 $0xC100;
	v3 =	vperm.xlane v3, v2  }
0x83: {  	[tilespmem:s2], [sflag:$0x3] =	stream.indirect_vreg.gather [hbm4b:s1+s3], $0x80, v4, vm0, $0xb8;
	[tilespmem:$0x1E100] =	vst v63  }
0x84: {  	s13 =	simm.s32 $0xC900;
	v3 =	vadd.s32 v1, v3  }
0x85: {  	[tilespmem:s13], [sflag:$0x3] =	stream.indirect_vreg.gather [hbm4b:s6+s3], $0x80, v4, vm0, $0xb8;
	[tilespmem:$0x1E100] =	vst v63  }
0x86: {  	s14 =	simm.s32 $0xD100  }
0x87: {  	[tilespmem:s14], [sflag:$0x3] =	stream.indirect_vreg.gather [hbm4b:s7+s3], $0x80, v4, vm0, $0xb8;
	[tilespmem:$0x1E100] =	vst v63  }
0x88: {  	s13 =	simm.s32 $0xD900  }
0x89: {  	[tilespmem:s13], [sflag:$0x3] =	stream.indirect_vreg.gather [hbm4b:s1+s3], $0x80, v3, vm0, $0xb8;
	[tilespmem:$0x1E100] =	vst v63  }
0x8a: {  	s14 =	simm.s32 $0xE100  }
0x8b: {  	[tilespmem:s14], [sflag:$0x3] =	stream.indirect_vreg.gather [hbm4b:s6+s3], $0x80, v3, vm0, $0xb8;
	[tilespmem:$0x1E100] =	vst v63  }
0x8c: {  	s13 =	simm.s32 $0xE900  }
0x8d: {  	[tilespmem:s13], [sflag:$0x3] =	stream.indirect_vreg.gather [hbm4b:s7+s3], $0x80, v3, vm0, $0xb8;
	[tilespmem:$0x1E100] =	vst v63  }
0x8e: {  	v3 =	vld [tilespmem:$0x50];
	_ =	sdelay $0x4  }
0x8f: {  	v53 =	vshrl.u32 v3, $0x3  }
0x90: {  	v4 =	vmul.u32 $0x30, v53  }
0x91: {  	v3 =	vand.u32 $0x7, v3  }
0x92: {  	v3 =	vor.u32 v3, v4  }
0x93: {  	v4 =	vperm.xlane v3, v0;
	_ =	sdelay $0x1  }
0x94: {  	v4 =	vadd.s32 v1, v4;
	_ =	sdelay $0x3  }
0x95: {  	s14 =	simm.s32 $0xF100;
	v3 =	vperm.xlane v3, v2  }
0x96: {  	[tilespmem:s14], [sflag:$0x3] =	stream.indirect_vreg.gather [hbm4b:s1+s3], $0x80, v4, vm0, $0xb8;
	[tilespmem:$0x1E100] =	vst v63  }
0x97: {  	s13 =	simm.s32 $0xF900;
	v3 =	vadd.s32 v1, v3  }
0x98: {  	[tilespmem:s13], [sflag:$0x3] =	stream.indirect_vreg.gather [hbm4b:s6+s3], $0x80, v4, vm0, $0xb8;
	[tilespmem:$0x1E100] =	vst v63  }
0x99: {  	s14 =	simm.s32 $0x10100  }
0x9a: {  	[tilespmem:s14], [sflag:$0x3] =	stream.indirect_vreg.gather [hbm4b:s7+s3], $0x80, v4, vm0, $0xb8;
	[tilespmem:$0x1E100] =	vst v63  }
0x9b: {  	s13 =	simm.s32 $0x10900  }
0x9c: {  	[tilespmem:s13], [sflag:$0x3] =	stream.indirect_vreg.gather [hbm4b:s1+s3], $0x80, v3, vm0, $0xb8;
	[tilespmem:$0x1E100] =	vst v63  }
0x9d: {  	s14 =	simm.s32 $0x11100  }
0x9e: {  	[tilespmem:s14], [sflag:$0x3] =	stream.indirect_vreg.gather [hbm4b:s6+s3], $0x80, v3, vm0, $0xb8;
	[tilespmem:$0x1E100] =	vst v63  }
0x9f: {  	s13 =	simm.s32 $0x11900  }
0xa0: {  	[tilespmem:s13], [sflag:$0x3] =	stream.indirect_vreg.gather [hbm4b:s7+s3], $0x80, v3, vm0, $0xb8;
	[tilespmem:$0x1E100] =	vst v63  }
0xa1: {  	v3 =	vld [tilespmem:$0x60];
	_ =	sdelay $0x4  }
0xa2: {  	v54 =	vshrl.u32 v3, $0x3  }
0xa3: {  	v4 =	vmul.u32 $0x30, v54  }
0xa4: {  	v3 =	vand.u32 $0x7, v3  }
0xa5: {  	v3 =	vor.u32 v3, v4  }
0xa6: {  	v4 =	vperm.xlane v3, v0;
	_ =	sdelay $0x1  }
0xa7: {  	v4 =	vadd.s32 v1, v4;
	_ =	sdelay $0x3  }
0xa8: {  	s13 =	simm.s32 $0x12100;
	v3 =	vperm.xlane v3, v2  }
0xa9: {  	[tilespmem:s13], [sflag:$0x4] =	stream.indirect_vreg.gather [hbm4b:s1+s3], $0x80, v4, vm0, $0xb8;
	[tilespmem:$0x1E100] =	vst v63  }
0xaa: {  	s14 =	rddreg [dreg:$0xc];
	v3 =	vadd.s32 v1, v3  }
0xab: {  	[tilespmem:s14], [sflag:$0x4] =	stream.indirect_vreg.gather [hbm4b:s6+s3], $0x80, v4, vm0, $0xb8;
	[tilespmem:$0x1E100] =	vst v63  }
0xac: {  	s13 =	rddreg [dreg:$0xd]  }
0xad: {  	[tilespmem:s13], [sflag:$0x4] =	stream.indirect_vreg.gather [hbm4b:s7+s3], $0x80, v4, vm0, $0xb8;
	[tilespmem:$0x1E100] =	vst v63  }
0xae: {  	s14 =	rddreg [dreg:$0xe]  }
0xaf: {  	[tilespmem:s14], [sflag:$0x4] =	stream.indirect_vreg.gather [hbm4b:s1+s3], $0x80, v3, vm0, $0xb8;
	[tilespmem:$0x1E100] =	vst v63  }
0xb0: {  	s13 =	rddreg [dreg:$0xf]  }
0xb1: {  	[tilespmem:s13], [sflag:$0x4] =	stream.indirect_vreg.gather [hbm4b:s6+s3], $0x80, v3, vm0, $0xb8;
	[tilespmem:$0x1E100] =	vst v63  }
0xb2: {  	s14 =	rddreg [dreg:$0x10]  }
0xb3: {  	[tilespmem:s14], [sflag:$0x4] =	stream.indirect_vreg.gather [hbm4b:s7+s3], $0x80, v3, vm0, $0xb8;
	[tilespmem:$0x1E100] =	vst v63  }
0xb4: {  	v3 =	vld [tilespmem:$0x70];
	_ =	sdelay $0x4  }
0xb5: {  	v55 =	vshrl.u32 v3, $0x3  }
0xb6: {  	v4 =	vmul.u32 $0x30, v55  }
0xb7: {  	v3 =	vand.u32 $0x7, v3  }
0xb8: {  	v3 =	vor.u32 v3, v4  }
0xb9: {  	v4 =	vperm.xlane v3, v0;
	_ =	sdelay $0x1  }
0xba: {  	v4 =	vadd.s32 v1, v4;
	_ =	sdelay $0x2  }
0xbb: {  	s12 =	rddreg [dreg:$0x16]  }
0xbc: {  	s14 =	rddreg [dreg:$0x11];
	v3 =	vperm.xlane v3, v2  }
0xbd: {  	[tilespmem:s14], [sflag:$0x4] =	stream.indirect_vreg.gather [hbm4b:s1+s3], $0x80, v4, vm0, $0xb8;
	[tilespmem:$0x1E100] =	vst v63  }
0xbe: {  	s13 =	rddreg [dreg:$0x12];
	v3 =	vadd.s32 v1, v3  }
0xbf: {  	[tilespmem:s13], [sflag:$0x4] =	stream.indirect_vreg.gather [hbm4b:s6+s3], $0x80, v4, vm0, $0xb8;
	[tilespmem:$0x1E100] =	vst v63  }
0xc0: {  	s14 =	rddreg [dreg:$0x13]  }
0xc1: {  	[tilespmem:s14], [sflag:$0x4] =	stream.indirect_vreg.gather [hbm4b:s7+s3], $0x80, v4, vm0, $0xb8;
	[tilespmem:$0x1E100] =	vst v63  }
0xc2: {  	s13 =	rddreg [dreg:$0x14]  }
0xc3: {  	[tilespmem:s13], [sflag:$0x4] =	stream.indirect_vreg.gather [hbm4b:s1+s3], $0x80, v3, vm0, $0xb8;
	[tilespmem:$0x1E100] =	vst v63  }
0xc4: {  	s14 =	rddreg [dreg:$0x15]  }
0xc5: {  	[tilespmem:s14], [sflag:$0x4] =	stream.indirect_vreg.gather [hbm4b:s6+s3], $0x80, v3, vm0, $0xb8;
	[tilespmem:$0x1E100] =	vst v63  }
0xc6: {  	s13 =	rddreg [dreg:$0x4]  }
0xc7: {  	[tilespmem:s12], [sflag:$0x4] =	stream.indirect_vreg.gather [hbm4b:s7+s3], $0x80, v3, vm0, $0xb8;
	[tilespmem:$0x1E100] =	vst v63  }
0xc8: {  	s14 =	rddreg [dreg:$0x17]  }
0xc9: {  	[tilespmem:s14], [sflag:$0xB] =	stream.linear.gather [hbm4b:s13+s3], $0x80, $0x38;
	[tilespmem:$0x1E100] =	vst v63  }
0xca: {  	_ =	swait.ge [sflag:s0], $0x80  }
0xcb: {  	[sflag:s0] =	ssyncset.done $0x0  }
0xcc: {  	[sflag:s0] =	ssyncadd.s32 $0xFFFFFF80  }
0xcd: {  	v3 =	vld [tilespmem:$0x80];
	_ =	sdelay $0x4  }
0xce: {  	v56 =	vshrl.u32 v3, $0x3  }
0xcf: {  	v4 =	vmul.u32 $0x30, v56  }
0xd0: {  	v3 =	vand.u32 $0x7, v3  }
0xd1: {  	v3 =	vor.u32 v3, v4  }
0xd2: {  	v4 =	vperm.xlane v3, v0;
	_ =	sdelay $0x1  }
0xd3: {  	v4 =	vadd.s32 v1, v4;
	_ =	sdelay $0x3  }
0xd4: {  	s0 =	simm.s32 $0x18100;
	v3 =	vperm.xlane v3, v2  }
0xd5: {  	[tilespmem:s0], [sflag:$0x5] =	stream.indirect_vreg.gather [hbm4b:s1+s3], $0x80, v4, vm0, $0xb8;
	[tilespmem:$0x1E100] =	vst v63  }
0xd6: {  	s14 =	rddreg [dreg:$0x18];
	v3 =	vadd.s32 v1, v3  }
0xd7: {  	[tilespmem:s14], [sflag:$0x5] =	stream.indirect_vreg.gather [hbm4b:s6+s3], $0x80, v4, vm0, $0xb8;
	[tilespmem:$0x1E100] =	vst v63  }
0xd8: {  	s13 =	rddreg [dreg:$0x19]  }
0xd9: {  	[tilespmem:s13], [sflag:$0x5] =	stream.indirect_vreg.gather [hbm4b:s7+s3], $0x80, v4, vm0, $0xb8;
	[tilespmem:$0x1E100] =	vst v63  }
0xda: {  	s14 =	rddreg [dreg:$0x1a]  }
0xdb: {  	[tilespmem:s14], [sflag:$0x5] =	stream.indirect_vreg.gather [hbm4b:s1+s3], $0x80, v3, vm0, $0xb8;
	[tilespmem:$0x1E100] =	vst v63  }
0xdc: {  	s13 =	rddreg [dreg:$0x1b]  }
0xdd: {  	[tilespmem:s13], [sflag:$0x5] =	stream.indirect_vreg.gather [hbm4b:s6+s3], $0x80, v3, vm0, $0xb8;
	[tilespmem:$0x1E100] =	vst v63  }
0xde: {  	s14 =	rddreg [dreg:$0x1c]  }
0xdf: {  	[tilespmem:s14], [sflag:$0x5] =	stream.indirect_vreg.gather [hbm4b:s7+s3], $0x80, v3, vm0, $0xb8;
	[tilespmem:$0x1E100] =	vst v63  }
0xe0: {  	v3 =	vld [tilespmem:$0x90];
	_ =	sdelay $0x4  }
0xe1: {  	v57 =	vshrl.u32 v3, $0x3  }
0xe2: {  	v4 =	vmul.u32 $0x30, v57  }
0xe3: {  	v3 =	vand.u32 $0x7, v3  }
0xe4: {  	v3 =	vor.u32 v3, v4  }
0xe5: {  	v4 =	vperm.xlane v3, v0;
	_ =	sdelay $0x1  }
0xe6: {  	v4 =	vadd.s32 v1, v4;
	_ =	sdelay $0x2  }
0xe7: {  	s12 =	rddreg [dreg:$0x1f]  }
0xe8: {  	s13 =	rddreg [dreg:$0x1d];
	v3 =	vperm.xlane v3, v2  }
0xe9: {  	[tilespmem:s13], [sflag:$0x5] =	stream.indirect_vreg.gather [hbm4b:s1+s3], $0x80, v4, vm0, $0xb8;
	[tilespmem:$0x1E100] =	vst v63  }
0xea: {  	s14 =	rddreg [dreg:$0x1e];
	v3 =	vadd.s32 v1, v3  }
0xeb: {  	[tilespmem:s14], [sflag:$0x5] =	stream.indirect_vreg.gather [hbm4b:s6+s3], $0x80, v4, vm0, $0xb8;
	[tilespmem:$0x1E100] =	vst v63  }
0xec: {  	s14 =	sld [smem:$0x7FB]  }
0xed: {  	[tilespmem:s12], [sflag:$0x5] =	stream.indirect_vreg.gather [hbm4b:s7+s3], $0x80, v4, vm0, $0xb8;
	[tilespmem:$0x1E100] =	vst v63  }
0xee: {  	s12 =	sld [smem:$0x7FC]  }
0xef: {  	[tilespmem:s14], [sflag:$0x5] =	stream.indirect_vreg.gather [hbm4b:s1+s3], $0x80, v3, vm0, $0xb8;
	[tilespmem:$0x1E100] =	vst v63  }
0xf0: {  	s14 =	sld [smem:$0x7FD]  }
0xf1: {  	[tilespmem:s12], [sflag:$0x5] =	stream.indirect_vreg.gather [hbm4b:s6+s3], $0x80, v3, vm0, $0xb8;
	[tilespmem:$0x1E100] =	vst v63  }
0xf2: {  	_ = 	snop  }
0xf3: {  	[tilespmem:s14], [sflag:$0x5] =	stream.indirect_vreg.gather [hbm4b:s7+s3], $0x80, v3, vm0, $0xb8;
	[tilespmem:$0x1E100] =	vst v63  }
0xf4: {  	_ =	swait.ge [sflag:s25], $0x6000  }
0xf5: {  	s14 =	sld [smem:$0x7FA]  }
0xf6: {  	[sflag:s25] =	ssyncset.done $0x0  }
0xf7: {  	[sflag:s25] =	ssyncadd.s32 $0xFFFFA000  }
0xf8: {  	[hbm4b:s14+s3] =	stream.linear.scatter [tilespmem:s22], [sflag:$0x6], $0x6000, $0x38;
	[tilespmem:$0x1E100] =	vst v63  }
0xf9: {  	_ =	swait.ge [sflag:s26], $0x6000  }
0xfa: {  	[sflag:s26] =	ssyncset.done $0x0  }
0xfb: {  	[sflag:s26] =	ssyncadd.s32 $0xFFFFA000  }
0xfc: {  	v3 =	vld [tilespmem:$0xA0];
	_ =	sdelay $0x4  }
0xfd: {  	v58 =	vshrl.u32 v3, $0x3  }
0xfe: {  	v4 =	vmul.u32 $0x30, v58  }
0xff: {  	v3 =	vand.u32 $0x7, v3  }
0x100: {  	v3 =	vor.u32 v3, v4  }
0x101: {  	v4 =	vperm.xlane v3, v0;
	_ =	sdelay $0x1  }
0x102: {  	v4 =	vadd.s32 v1, v4;
	_ =	sdelay $0x3  }
0x103: {  	v3 =	vperm.xlane v3, v2  }
0x104: {  	[tilespmem:s22], [sflag:$0x1] =	stream.indirect_vreg.gather [hbm4b:s1+s3], $0x80, v4, vm0, $0xb8;
	[tilespmem:$0x1E100] =	vst v63  }
0x105: {  	v3 =	vadd.s32 v1, v3  }
0x106: {  	[tilespmem:s15], [sflag:$0x1] =	stream.indirect_vreg.gather [hbm4b:s6+s3], $0x80, v4, vm0, $0xb8;
	[tilespmem:$0x1E100] =	vst v63  }
0x107: {  	_ = 	snop  }
0x108: {  	[tilespmem:s16], [sflag:$0x1] =	stream.indirect_vreg.gather [hbm4b:s7+s3], $0x80, v4, vm0, $0xb8;
	[tilespmem:$0x1E100] =	vst v63  }
0x109: {  	_ = 	snop  }
0x10a: {  	[tilespmem:s17], [sflag:$0x1] =	stream.indirect_vreg.gather [hbm4b:s1+s3], $0x80, v3, vm0, $0xb8;
	[tilespmem:$0x1E100] =	vst v63  }
0x10b: {  	_ = 	snop  }
0x10c: {  	[tilespmem:s18], [sflag:$0x1] =	stream.indirect_vreg.gather [hbm4b:s6+s3], $0x80, v3, vm0, $0xb8;
	[tilespmem:$0x1E100] =	vst v63  }
0x10d: {  	_ = 	snop  }
0x10e: {  	[tilespmem:s19], [sflag:$0x1] =	stream.indirect_vreg.gather [hbm4b:s7+s3], $0x80, v3, vm0, $0xb8;
	[tilespmem:$0x1E100] =	vst v63  }
0x10f: {  	v3 =	vld [tilespmem:$0xB0];
	_ =	sdelay $0x4  }
0x110: {  	v59 =	vshrl.u32 v3, $0x3  }
0x111: {  	v4 =	vmul.u32 $0x30, v59  }
0x112: {  	v3 =	vand.u32 $0x7, v3  }
0x113: {  	v3 =	vor.u32 v3, v4  }
0x114: {  	v4 =	vperm.xlane v3, v0;
	_ =	sdelay $0x1  }
0x115: {  	v4 =	vadd.s32 v1, v4;
	_ =	sdelay $0x3  }
0x116: {  	v3 =	vperm.xlane v3, v2  }
0x117: {  	[tilespmem:s20], [sflag:$0x1] =	stream.indirect_vreg.gather [hbm4b:s1+s3], $0x80, v4, vm0, $0xb8;
	[tilespmem:$0x1E100] =	vst v63  }
0x118: {  	v3 =	vadd.s32 v1, v3  }
0x119: {  	[tilespmem:s21], [sflag:$0x1] =	stream.indirect_vreg.gather [hbm4b:s6+s3], $0x80, v4, vm0, $0xb8;
	[tilespmem:$0x1E100] =	vst v63  }
0x11a: {  	_ = 	snop  }
0x11b: {  	[tilespmem:s23], [sflag:$0x1] =	stream.indirect_vreg.gather [hbm4b:s7+s3], $0x80, v4, vm0, $0xb8;
	[tilespmem:$0x1E100] =	vst v63  }
0x11c: {  	_ = 	snop  }
0x11d: {  	[tilespmem:s24], [sflag:$0x1] =	stream.indirect_vreg.gather [hbm4b:s1+s3], $0x80, v3, vm0, $0xb8;
	[tilespmem:$0x1E100] =	vst v63  }
0x11e: {  	_ = 	snop  }
0x11f: {  	[tilespmem:s9], [sflag:$0x1] =	stream.indirect_vreg.gather [hbm4b:s6+s3], $0x80, v3, vm0, $0xb8;
	[tilespmem:$0x1E100] =	vst v63  }
0x120: {  	_ = 	snop  }
0x121: {  	[tilespmem:s4], [sflag:$0x1] =	stream.indirect_vreg.gather [hbm4b:s7+s3], $0x80, v3, vm0, $0xb8;
	[tilespmem:$0x1E100] =	vst v63  }
0x122: {  	_ =	swait.ge [sflag:s28], $0x6000  }
0x123: {  	[sflag:s28] =	ssyncset.done $0x0  }
0x124: {  	s4 =	rddreg [dreg:$0x5];
	[sflag:s28] =	ssyncadd.s32 $0xFFFFA000  }
0x125: {  	[hbm4b:s4+s3] =	stream.linear.scatter [tilespmem:s5], [sflag:$0x7], $0x6000, $0x38;
	[tilespmem:$0x1E100] =	vst v63  }
0x126: {  	_ =	swait.ge [sflag:s29], $0x6000  }
0x127: {  	[sflag:s29] =	ssyncset.done $0x0  }
0x128: {  	[sflag:s29] =	ssyncadd.s32 $0xFFFFA000  }
0x129: {  	v3 =	vld [tilespmem:$0xC0];
	_ =	sdelay $0x4  }
0x12a: {  	v60 =	vshrl.u32 v3, $0x3  }
0x12b: {  	v4 =	vmul.u32 $0x30, v60  }
0x12c: {  	v3 =	vand.u32 $0x7, v3  }
0x12d: {  	v3 =	vor.u32 v3, v4  }
0x12e: {  	v4 =	vperm.xlane v3, v0;
	_ =	sdelay $0x1  }
0x12f: {  	v4 =	vadd.s32 v1, v4;
	_ =	sdelay $0x3  }
0x130: {  	v3 =	vperm.xlane v3, v2  }
0x131: {  	[tilespmem:s5], [sflag:$0x2] =	stream.indirect_vreg.gather [hbm4b:s1+s3], $0x80, v4, vm0, $0xb8;
	[tilespmem:$0x1E100] =	vst v63  }
0x132: {  	s12 =	simm.s32 $0x6900;
	v3 =	vadd.s32 v1, v3  }
0x133: {  	[tilespmem:s12], [sflag:$0x2] =	stream.indirect_vreg.gather [hbm4b:s6+s3], $0x80, v4, vm0, $0xb8;
	[tilespmem:$0x1E100] =	vst v63  }
0x134: {  	_ = 	snop  }
0x135: {  	[tilespmem:s11], [sflag:$0x2] =	stream.indirect_vreg.gather [hbm4b:s7+s3], $0x80, v4, vm0, $0xb8;
	[tilespmem:$0x1E100] =	vst v63  }
0x136: {  	_ = 	snop  }
0x137: {  	[tilespmem:s10], [sflag:$0x2] =	stream.indirect_vreg.gather [hbm4b:s1+s3], $0x80, v3, vm0, $0xb8;
	[tilespmem:$0x1E100] =	vst v63  }
0x138: {  	s13 =	simm.s32 $0x8100  }
0x139: {  	[tilespmem:s13], [sflag:$0x2] =	stream.indirect_vreg.gather [hbm4b:s6+s3], $0x80, v3, vm0, $0xb8;
	[tilespmem:$0x1E100] =	vst v63  }
0x13a: {  	s14 =	simm.s32 $0x8900  }
0x13b: {  	[tilespmem:s14], [sflag:$0x2] =	stream.indirect_vreg.gather [hbm4b:s7+s3], $0x80, v3, vm0, $0xb8;
	[tilespmem:$0x1E100] =	vst v63  }
0x13c: {  	v3 =	vld [tilespmem:$0xD0];
	_ =	sdelay $0x4  }
0x13d: {  	v61 =	vshrl.u32 v3, $0x3  }
0x13e: {  	v4 =	vmul.u32 $0x30, v61  }
0x13f: {  	v3 =	vand.u32 $0x7, v3  }
0x140: {  	v3 =	vor.u32 v3, v4  }
0x141: {  	v4 =	vperm.xlane v3, v0;
	_ =	sdelay $0x1  }
0x142: {  	v4 =	vadd.s32 v1, v4;
	_ =	sdelay $0x3  }
0x143: {  	s12 =	simm.s32 $0x9100;
	v3 =	vperm.xlane v3, v2  }
0x144: {  	[tilespmem:s12], [sflag:$0x2] =	stream.indirect_vreg.gather [hbm4b:s1+s3], $0x80, v4, vm0, $0xb8;
	[tilespmem:$0x1E100] =	vst v63  }
0x145: {  	s13 =	simm.s32 $0x9900;
	v3 =	vadd.s32 v1, v3  }
0x146: {  	[tilespmem:s13], [sflag:$0x2] =	stream.indirect_vreg.gather [hbm4b:s6+s3], $0x80, v4, vm0, $0xb8;
	[tilespmem:$0x1E100] =	vst v63  }
0x147: {  	s14 =	simm.s32 $0xA100  }
0x148: {  	[tilespmem:s14], [sflag:$0x2] =	stream.indirect_vreg.gather [hbm4b:s7+s3], $0x80, v4, vm0, $0xb8;
	[tilespmem:$0x1E100] =	vst v63  }
0x149: {  	s12 =	simm.s32 $0xA900  }
0x14a: {  	[tilespmem:s12], [sflag:$0x2] =	stream.indirect_vreg.gather [hbm4b:s1+s3], $0x80, v3, vm0, $0xb8;
	[tilespmem:$0x1E100] =	vst v63  }
0x14b: {  	s13 =	simm.s32 $0xB100  }
0x14c: {  	[tilespmem:s13], [sflag:$0x2] =	stream.indirect_vreg.gather [hbm4b:s6+s3], $0x80, v3, vm0, $0xb8;
	[tilespmem:$0x1E100] =	vst v63  }
0x14d: {  	s14 =	simm.s32 $0xB900  }
0x14e: {  	[tilespmem:s14], [sflag:$0x2] =	stream.indirect_vreg.gather [hbm4b:s7+s3], $0x80, v3, vm0, $0xb8;
	[tilespmem:$0x1E100] =	vst v63  }
0x14f: {  	_ =	swait.ge [sflag:s30], $0x6000  }
0x150: {  	[sflag:s30] =	ssyncset.done $0x0  }
0x151: {  	s4 =	rddreg [dreg:$0x6];
	[sflag:s30] =	ssyncadd.s32 $0xFFFFA000  }
0x152: {  	[hbm4b:s4+s3] =	stream.linear.scatter [tilespmem:s2], [sflag:$0x8], $0x6000, $0x38;
	[tilespmem:$0x1E100] =	vst v63  }
0x153: {  	_ =	swait.ge [sflag:s31], $0x6000  }
0x154: {  	[sflag:s31] =	ssyncset.done $0x0  }
0x155: {  	[sflag:s31] =	ssyncadd.s32 $0xFFFFA000  }
0x156: {  	v3 =	vld [tilespmem:$0xE0];
	_ =	sdelay $0x4  }
0x157: {  	v62 =	vshrl.u32 v3, $0x3  }
0x158: {  	v4 =	vmul.u32 $0x30, v62  }
0x159: {  	v3 =	vand.u32 $0x7, v3  }
0x15a: {  	v3 =	vor.u32 v3, v4  }
0x15b: {  	v4 =	vperm.xlane v3, v0;
	_ =	sdelay $0x1  }
0x15c: {  	v4 =	vadd.s32 v1, v4;
	_ =	sdelay $0x3  }
0x15d: {  	v3 =	vperm.xlane v3, v2  }
0x15e: {  	[tilespmem:s2], [sflag:$0x3] =	stream.indirect_vreg.gather [hbm4b:s1+s3], $0x80, v4, vm0, $0xb8;
	[tilespmem:$0x1E100] =	vst v63  }
0x15f: {  	s13 =	simm.s32 $0xC900;
	v3 =	vadd.s32 v1, v3  }
0x160: {  	[tilespmem:s13], [sflag:$0x3] =	stream.indirect_vreg.gather [hbm4b:s6+s3], $0x80, v4, vm0, $0xb8;
	[tilespmem:$0x1E100] =	vst v63  }
0x161: {  	s14 =	simm.s32 $0xD100  }
0x162: {  	[tilespmem:s14], [sflag:$0x3] =	stream.indirect_vreg.gather [hbm4b:s7+s3], $0x80, v4, vm0, $0xb8;
	[tilespmem:$0x1E100] =	vst v63  }
0x163: {  	s12 =	simm.s32 $0xD900  }
0x164: {  	[tilespmem:s12], [sflag:$0x3] =	stream.indirect_vreg.gather [hbm4b:s1+s3], $0x80, v3, vm0, $0xb8;
	[tilespmem:$0x1E100] =	vst v63  }
0x165: {  	s13 =	simm.s32 $0xE100  }
0x166: {  	[tilespmem:s13], [sflag:$0x3] =	stream.indirect_vreg.gather [hbm4b:s6+s3], $0x80, v3, vm0, $0xb8;
	[tilespmem:$0x1E100] =	vst v63  }
0x167: {  	s14 =	simm.s32 $0xE900  }
0x168: {  	[tilespmem:s14], [sflag:$0x3] =	stream.indirect_vreg.gather [hbm4b:s7+s3], $0x80, v3, vm0, $0xb8;
	[tilespmem:$0x1E100] =	vst v63  }
0x169: {  	v3 =	vld [tilespmem:$0xF0];
	_ =	sdelay $0x4  }
0x16a: {  	v63 =	vshrl.u32 v3, $0x3  }
0x16b: {  	v4 =	vmul.u32 $0x30, v63  }
0x16c: {  	v3 =	vand.u32 $0x7, v3  }
0x16d: {  	v3 =	vor.u32 v3, v4  }
0x16e: {  	v4 =	vperm.xlane v3, v0;
	_ =	sdelay $0x1  }
0x16f: {  	v4 =	vadd.s32 v1, v4;
	_ =	sdelay $0x3  }
0x170: {  	s12 =	simm.s32 $0xF100;
	v3 =	vperm.xlane v3, v2  }
0x171: {  	[tilespmem:s12], [sflag:$0x3] =	stream.indirect_vreg.gather [hbm4b:s1+s3], $0x80, v4, vm0, $0xb8;
	[tilespmem:$0x1E100] =	vst v63  }
0x172: {  	s13 =	simm.s32 $0xF900;
	v3 =	vadd.s32 v1, v3  }
0x173: {  	[tilespmem:s13], [sflag:$0x3] =	stream.indirect_vreg.gather [hbm4b:s6+s3], $0x80, v4, vm0, $0xb8;
	[tilespmem:$0x1E100] =	vst v63  }
0x174: {  	s14 =	simm.s32 $0x10100  }
0x175: {  	[tilespmem:s14], [sflag:$0x3] =	stream.indirect_vreg.gather [hbm4b:s7+s3], $0x80, v4, vm0, $0xb8;
	[tilespmem:$0x1E100] =	vst v63  }
0x176: {  	s12 =	simm.s32 $0x10900  }
0x177: {  	[tilespmem:s12], [sflag:$0x3] =	stream.indirect_vreg.gather [hbm4b:s1+s3], $0x80, v3, vm0, $0xb8;
	[tilespmem:$0x1E100] =	vst v63  }
0x178: {  	s13 =	simm.s32 $0x11100  }
0x179: {  	[tilespmem:s13], [sflag:$0x3] =	stream.indirect_vreg.gather [hbm4b:s6+s3], $0x80, v3, vm0, $0xb8;
	[tilespmem:$0x1E100] =	vst v63  }
0x17a: {  	s14 =	simm.s32 $0x11900;
	s12 =	simm.s32 $0x4  }
0x17b: {  	[tilespmem:s14], [sflag:$0x3] =	stream.indirect_vreg.gather [hbm4b:s7+s3], $0x80, v3, vm0, $0xb8;
	[tilespmem:$0x1E100] =	vst v63  }
0x17c: {  	_ =	swait.ge [sflag:s12], $0x6000  }
0x17d: {  	s14 =	simm.s32 $0x12100;
	[sflag:s12] =	ssyncset.done $0x0  }
0x17e: {  	s13 =	rddreg [dreg:$0x7];
	[sflag:s12] =	ssyncadd.s32 $0xFFFFA000;
	s12 =	simm.s32 $0x5  }
0x17f: {  	[hbm4b:s13+s3] =	stream.linear.scatter [tilespmem:s14], [sflag:$0x9], $0x6000, $0x38;
	[tilespmem:$0x1E100] =	vst v63  }
0x180: {  	_ =	swait.ge [sflag:s12], $0x6000  }
0x181: {  	[sflag:s12] =	ssyncset.done $0x0  }
0x182: {  	s13 =	rddreg [dreg:$0x8];
	[sflag:s12] =	ssyncadd.s32 $0xFFFFA000  }
0x183: {  	[hbm4b:s13+s3] =	stream.linear.scatter [tilespmem:s0], [sflag:$0xA], $0x6000, $0x38;
	[tilespmem:$0x1E100] =	vst v63  }
0x184: {  	_ =	swait.ge [sflag:s25], $0x6000  }
0x185: {  	[sflag:s25] =	ssyncset.done $0x0  }
0x186: {  	s14 =	rddreg [dreg:$0x9];
	[sflag:s25] =	ssyncadd.s32 $0xFFFFA000  }
0x187: {  	[hbm4b:s14+s3] =	stream.linear.scatter [tilespmem:s22], [sflag:$0x6], $0x6000, $0x38;
	[tilespmem:$0x1E100] =	vst v63  }
0x188: {  	_ =	swait.ge [sflag:s28], $0x6000  }
0x189: {  	[sflag:s28] =	ssyncset.done $0x0  }
0x18a: {  	s0 =	rddreg [dreg:$0xa];
	[sflag:s28] =	ssyncadd.s32 $0xFFFFA000  }
0x18b: {  	[hbm4b:s0+s3] =	stream.linear.scatter [tilespmem:s5], [sflag:$0x7], $0x6000, $0x38;
	[tilespmem:$0x1E100] =	vst v63  }
0x18c: {  	_ =	swait.ge [sflag:s30], $0x6000  }
0x18d: {  	[sflag:s30] =	ssyncset.done $0x0  }
0x18e: {  	s13 =	simm.s32 $0x9;
	s4 =	rddreg [dreg:$0xb];
	[sflag:s30] =	ssyncadd.s32 $0xFFFFA000  }
0x18f: {  	[hbm4b:s4+s3] =	stream.linear.scatter [tilespmem:s2], [sflag:$0x8], $0x6000, $0x38;
	[tilespmem:$0x1E100] =	vst v63  }
0x190: {  	_ =	swait.ge [sflag:s13], $0x6000  }
0x191: {  	[sflag:s13] =	ssyncset.done $0x0  }
0x192: {  	s14 =	simm.s32 $0xA;
	[sflag:s13] =	ssyncadd.s32 $0xFFFFA000  }
0x193: {  	_ =	swait.ge [sflag:s14], $0x6000  }
0x194: {  	[sflag:s14] =	ssyncset.done $0x0  }
0x195: {  	[sflag:s14] =	ssyncadd.s32 $0xFFFFA000  }
0x196: {  	_ =	swait.ge [sflag:s26], $0x6000  }
0x197: {  	[sflag:s26] =	ssyncset.done $0x0  }
0x198: {  	[sflag:s26] =	ssyncadd.s32 $0xFFFFA000  }
0x199: {  	p0 =	sne.s32 s8, $0x1;
	_ =	swait.ge [sflag:s29], $0x6000  }
.Ltmp0:
0x19a: {  	[sflag:s29] =	ssyncset.done $0x0;
	(pc) =	sbr.rel @p0 .LBB2_1-.Ltmp0, $4  }
0x19b: {  	[sflag:s29] =	ssyncadd.s32 $0xFFFFA000  }
0x19c: {  	_ =	swait.ge [sflag:s31], $0x6000  }
0x19d: {  	[sflag:s31] =	ssyncset.done $0x0  }
0x19e: {  	s8 =	sadd.s32 $0xFFFFFFFF, s8;
	[sflag:s31] =	ssyncadd.s32 $0xFFFFA000  }
0x19f: {  	_ =	sfence.sel $0x180000  }
0x1a0: {  	[bflag:$0x0] =	sbarrier.arrive $0xFFFF  }
0x1a1: {  	_ =	strace $0x90000047  }
0x1a2: {  	s0 =	stileid.u32;
	[bflag:$0x2] =	sbarrier.arrive $0xFFFF  }
0x1a3: {  	p0 =	sne.s32 s0, $0x0;
	s0 =	rddreg [dreg:$0x3]  }
0x1a4: {  	s0 =	sadd.s32 @!p0 $0x100000, s0  }
0x1a5: {  	[sflag:s0] =	ssyncadd.tile.s32 @!p0 $0x1;
	_ =	shalt  }
.Lfunc_end2:
_tile_overlayer_lowered:
.L_overlay_start_2:
0x1a6: {  	(tag) =	ssettag $0x2  }
0x1a7: {  	s0 =	rddreg [dreg:$0x0];
	s2 =	stileid.u32  }
0x1a8: {  	s1 =	rddreg [dreg:$0x1];
	p0 =	sne.s32 s2, $0x0  }
0x1a9: {  	s3 =	rddreg [dreg:$0x2];
	[bflag:$0x3] =	sbarrier.arrive $0xFFFF;
	s2 =	simm.s32 @!p0 $0x1C0B  }
0x1aa: {  	[timem:s3], [sflag:s2] =	dma.local @!p0 [hbm:s0], s1  }
0x1ab: {  	s0 =	simm.s32 @!p0 $0xB  }
0x1ac: {  	_ =	swait.ge @!p0 [sflag:s0], s1  }
0x1ad: {  	s1 =	ssub.s32 @!p0 $0x0, s1;
	[sflag:s0] =	ssyncset.done @!p0 $0x0  }
0x1ae: {  	[sflag:s0] =	ssyncadd.s32 @!p0 s1  }
0x1af: {  	[bflag:$0x3] =	sbarrier.arrive $0xFFFF  }
0x1b0: {  	_ =	shalt  }

</sc_bundles>
